<compile_context>
chip_gen: v7x
topology: tpu7x:2x2x1
jax: 0.10.2.dev20260603
libtpu: 0.0.44.dev20260713+nightly
codegen_flags: <defaults>
</compile_context>

<pallas_src>
import functools

import jax
import jax.numpy as jnp
from jax import lax
from jax.experimental import pallas as pl
from jax.experimental.pallas import tpu as pltpu
from jax.experimental.pallas import tpu_sc as plsc

B, S, D, H = 16, 2048, 512, 512
G4 = 4 * H
CHUNK = 64


def _sc_sort(maskT_i32):
    mesh = plsc.VectorSubcoreMesh(core_axis_name="c", subcore_axis_name="s")

    @functools.partial(
        pl.kernel,
        mesh=mesh,
        out_type=(
            jax.ShapeDtypeStruct((B,), jnp.int32),
            jax.ShapeDtypeStruct((B,), jnp.int32),
        ),
        scratch_types=[
            pltpu.VMEM((128, B), jnp.int32),
            pltpu.VMEM((B,), jnp.int32),
            pltpu.VMEM((B,), jnp.int32),
        ],
    )
    def k(mask_hbm, rest_hbm, len_hbm, mask_v, rest_v, len_v):
        wid = lax.axis_index("s") * 2 + lax.axis_index("c")

        @pl.when(wid == 0)
        def _():
            lengths = jnp.zeros((B,), jnp.int32)
            for c in range(S // 128):
                pltpu.sync_copy(mask_hbm.at[pl.ds(c * 128, 128)], mask_v)

                def body(t, acc):
                    return acc + mask_v[t, :]

                lengths = lax.fori_loop(0, 128, body, lengths)
            idx = lax.iota(jnp.int32, B)
            keys = lengths * B + (B - 1) - idx
            rank = jnp.zeros((B,), jnp.int32)
            one = jnp.ones((B,), jnp.int32)
            zero = jnp.zeros((B,), jnp.int32)
            for j in range(B):
                kj = keys[j]
                rank = rank + jnp.where(kj > keys, one, zero)
            rest_v[...] = rank
            len_v[...] = lengths
            pltpu.sync_copy(rest_v, rest_hbm)
            pltpu.sync_copy(len_v, len_hbm)

    return k(maskT_i32)


def _lstm_body(x_ref, len_ref, rest_ref, wih_ref, whh_ref, bih_ref, bhh_ref,
               out_ref, hf_ref, cf_ref, h_s, c_s, a_s, res_s):
    i = pl.program_id(0)
    nt = pl.num_programs(0)

    @pl.when(i == 0)
    def _():
        h_s[...] = jnp.zeros((B, H), jnp.float32)
        c_s[...] = jnp.zeros((B, H), jnp.float32)

    xt = jnp.swapaxes(x_ref[...], 0, 1)
    x2 = xt.reshape(CHUNK * B, D)
    bias = bih_ref[...] + bhh_ref[...]
    a = lax.dot_general(x2, wih_ref[...], (((1,), (1,)), ((), ())),
                        preferred_element_type=jnp.float32) + bias
    a_s[...] = a.reshape(CHUNK, B, G4)

    lens = len_ref[...]
    whh = whh_ref[...]
    t0 = (i * CHUNK).astype(jnp.float32)

    def step(t, carry):
        h, c = carry
        gates = a_s[t] + lax.dot_general(
            h, whh, (((1,), (1,)), ((), ())), preferred_element_type=jnp.float32)
        ig = jax.nn.sigmoid(gates[:, 0:H])
        fg = jax.nn.sigmoid(gates[:, H:2 * H])
        gg = jnp.tanh(gates[:, 2 * H:3 * H])
        og = jax.nn.sigmoid(gates[:, 3 * H:4 * H])
        c_new = fg * c + ig * gg
        h_new = og * jnp.tanh(c_new)
        valid = lens > (t0 + t.astype(jnp.float32))
        res_s[:, t, :] = jnp.where(valid, h_new, 0.0)
        return (jnp.where(valid, h_new, h), jnp.where(valid, c_new, c))

    h_fin, c_fin = lax.fori_loop(0, CHUNK, step, (h_s[...], c_s[...]),
                                 unroll=4)
    h_s[...] = h_fin
    c_s[...] = c_fin

    rows = lax.broadcasted_iota(jnp.int32, (B, B), 0)
    perm = (rows == rest_ref[...]).astype(jnp.float32)
    res = res_s[...].reshape(B, CHUNK * H)
    out_ref[...] = jnp.dot(perm, res,
                           preferred_element_type=jnp.float32).reshape(B, CHUNK, H)

    @pl.when(i == nt - 1)
    def _():
        hf_ref[...] = jnp.dot(perm, h_fin, preferred_element_type=jnp.float32)
        cf_ref[...] = jnp.dot(perm, c_fin, preferred_element_type=jnp.float32)


def _lstm_call(x, lens_col, rest_row, w_ih, w_hh, b_ih2, b_hh2):
    grid = (S // CHUNK,)
    return pl.pallas_call(
        _lstm_body,
        grid=grid,
        in_specs=[
            pl.BlockSpec((B, CHUNK, D), lambda i: (0, i, 0)),
            pl.BlockSpec((B, 1), lambda i: (0, 0)),
            pl.BlockSpec((1, B), lambda i: (0, 0)),
            pl.BlockSpec((G4, D), lambda i: (0, 0)),
            pl.BlockSpec((G4, H), lambda i: (0, 0)),
            pl.BlockSpec((1, G4), lambda i: (0, 0)),
            pl.BlockSpec((1, G4), lambda i: (0, 0)),
        ],
        out_specs=[
            pl.BlockSpec((B, CHUNK, H), lambda i: (0, i, 0)),
            pl.BlockSpec((B, H), lambda i: (0, 0)),
            pl.BlockSpec((B, H), lambda i: (0, 0)),
        ],
        out_shape=[
            jax.ShapeDtypeStruct((B, S, H), jnp.float32),
            jax.ShapeDtypeStruct((B, H), jnp.float32),
            jax.ShapeDtypeStruct((B, H), jnp.float32),
        ],
        scratch_shapes=[
            pltpu.VMEM((B, H), jnp.float32),
            pltpu.VMEM((B, H), jnp.float32),
            pltpu.VMEM((CHUNK, B, G4), jnp.float32),
            pltpu.VMEM((B, CHUNK, H), jnp.float32),
        ],
        compiler_params=pltpu.CompilerParams(
            dimension_semantics=("arbitrary",)),
    )(x, lens_col, rest_row, w_ih, w_hh, b_ih2, b_hh2)


def kernel(inputs, mask, W_ih, W_hh, b_ih, b_hh):
    maskT_i32 = mask.astype(jnp.int32).T
    rest, lengths = _sc_sort(maskT_i32)
    lens_col = lengths.astype(jnp.float32).reshape(B, 1)
    rest_row = rest.reshape(1, B)
    out, hf, cf = _lstm_call(inputs, lens_col, rest_row, W_ih, W_hh,
                             b_ih.reshape(1, G4), b_hh.reshape(1, G4))
    return out, hf[None], cf[None], rest

# --- scband reference (transcript-rebuilt; emitter-appended) ---
"""Pipeline reference for scband-encoder-base-28278064677111 (READ-ONLY COPY).

The authoritative reference and input builder live on the scoring server;
editing this copy changes nothing except your own understanding.
"""

import jax, jax.numpy as jnp
import numpy as np

B, S, D, H = 16, 2048, 512, 512


def setup_inputs(seed: int = 0) -> dict:
    key = jax.random.key(seed)
    k1, k2, k3, k4, k5, k6 = jax.random.split(key, 6)
    inputs = jax.random.normal(k1, (B, S, D), dtype=jnp.float32)
    # ragged prefix mask: each row has a random length in [1, S]
    lengths = jax.random.randint(k2, (B,), 1, S + 1)
    mask = jnp.arange(S)[None, :] < lengths[:, None]
    s = 1.0 / np.sqrt(H)
    W_ih = jax.random.uniform(k3, (4 * H, D), minval=-s, maxval=s, dtype=jnp.float32)
    W_hh = jax.random.uniform(k4, (4 * H, H), minval=-s, maxval=s, dtype=jnp.float32)
    b_ih = jax.random.uniform(k5, (4 * H,), minval=-s, maxval=s, dtype=jnp.float32)
    b_hh = jax.random.uniform(k6, (4 * H,), minval=-s, maxval=s, dtype=jnp.float32)
    return {"inputs": inputs, "mask": mask, "W_ih": W_ih, "W_hh": W_hh, "b_ih": b_ih, "b_hh": b_hh}


def _lstm_sorted(sorted_inputs, sorted_lengths, W_ih, W_hh, b_ih, b_hh):
    # Emulates nn.LSTM over a PackedSequence built from length-sorted inputs:
    # rows past their length are frozen (no state update) and emit zeros.
    n = sorted_inputs.shape[0]
    h0 = jnp.zeros((n, H), dtype=sorted_inputs.dtype)
    c0 = jnp.zeros((n, H), dtype=sorted_inputs.dtype)
    xs = jnp.transpose(sorted_inputs, (1, 0, 2))  # [S, n, D]
    ts = jnp.arange(xs.shape[0])

    def step(carry, inp):
        h, c = carry
        xt, t = inp
        gates = xt @ W_ih.T + h @ W_hh.T + b_ih + b_hh
        i, f, g, o = jnp.split(gates, 4, axis=-1)
        i = jax.nn.sigmoid(i)
        f = jax.nn.sigmoid(f)
        g = jnp.tanh(g)
        o = jax.nn.sigmoid(o)
        c_new = f * c + i * g
        h_new = o * jnp.tanh(c_new)
        valid = (t < sorted_lengths)[:, None]
        h2 = jnp.where(valid, h_new, h)
        c2 = jnp.where(valid, c_new, c)
        out = jnp.where(valid, h_new, jnp.zeros_like(h_new))
        return (h2, c2), out

    (hf, cf), outs = jax.lax.scan(step, (h0, c0), (xs, ts))
    return jnp.transpose(outs, (1, 0, 2)), hf, cf


def reference(inputs, mask, W_ih, W_hh, b_ih, b_hh):
    # sort_and_run_forward from _EncoderBase (stateful=False, hidden_state=None),
    # with `module` = single-layer LSTM.
    lengths = jnp.sum(mask.astype(jnp.int32), axis=1)
    num_valid = mask.shape[0]
    sorting_indices = jnp.argsort(-lengths)  # descending, stable like torch.sort
    restoration_indices = jnp.argsort(sorting_indices)
    sorted_inputs = jnp.take(inputs, sorting_indices, axis=0)
    sorted_lengths = jnp.take(lengths, sorting_indices, axis=0)
    si = sorted_inputs[:num_valid]
    sl = sorted_lengths[:num_valid]
    out, hf, cf = _lstm_sorted(si, sl, W_ih, W_hh, b_ih, b_hh)
    final_states = (hf[None, :, :], cf[None, :, :])
    return out, final_states[0], final_states[1], restoration_indices

if __name__ == "__main__":
    import jax
    _d = setup_inputs()
    print(jax.jit(kernel)(*tuple(_d.values())))

</pallas_src>

<mosaic_0001>
#map = affine_map<(d0, d1) -> (0, 0)>
#map1 = affine_map<(d0, d1) -> (0)>
module attributes {stable_mosaic.version = 14 : i64} {
  func.func @k(%arg0: i32, %arg1: i32, %arg2: memref<2048x16xi32, #tpu.memory_space<hbm>>, %arg3: memref<16xi32, #tpu.memory_space<hbm>>, %arg4: memref<16xi32, #tpu.memory_space<hbm>>, %arg5: memref<128x16xi32, #tpu.memory_space<vmem>>, %arg6: memref<16xi32, #tpu.memory_space<vmem>>, %arg7: memref<16xi32, #tpu.memory_space<vmem>>) attributes {dimension_semantics = [#tpu.dimension_semantics<core_parallel>, #tpu.dimension_semantics<subcore_parallel>], iteration_bounds = array<i64: 2, 16>, scalar_prefetch = 0 : i64, scratch_operands = 3 : i64, tpu.core_type = #tpu.core_type<sc_vector_subcore>, window_params = [{transform_indices = #map}, {transform_indices = #map1}, {transform_indices = #map1}]} {
    %mul3A = arith.constant 2 : i32
    %mul3A_0 = arith.muli %arg1, %mul3A : i32
    %add3A = arith.addi %mul3A_0, %arg0 : i32
    %eq3A = arith.constant 0 : i32
    %eq3A_1 = arith.cmpi eq, %add3A, %eq3A : i32
    %convert_element_type3A = arith.extui %eq3A_1 : i1 to i32
    %cond3A = arith.constant 0 : i32
    %cond3A_2 = arith.cmpi ne, %convert_element_type3A, %cond3A : i32
    scf.if %cond3A_2 {
      %broadcast_in_dim3A = arith.constant 0 : i32
      %broadcast_in_dim3A_3 = vector.broadcast %broadcast_in_dim3A : i32 to vector<16xi32>
      "tpu.region"() ({
        %run_scoped3A = tpu.sem_alloc : memref<!tpu.dma_semaphore, #tpu.memory_space<semaphore_mem>>
        %dma_start3A = arith.constant 0 : i32
        %dma_start3A_210 = arith.constant 0 : i32
        %dma_start3A_211 = tpu.memref_slice %arg2[%dma_start3A, %dma_start3A_210] : memref<2048x16xi32, #tpu.memory_space<hbm>> -> memref<128x16xi32, #tpu.memory_space<hbm>>
        %dma_start3A_212 = arith.constant 0 : i32
        %dma_start3A_213 = arith.constant 0 : i32
        %dma_start3A_214 = tpu.memref_slice %arg2[%dma_start3A_212, %dma_start3A_213] : memref<2048x16xi32, #tpu.memory_space<hbm>> -> memref<128x16xi32, #tpu.memory_space<hbm>>
        tpu.enqueue_dma source(%dma_start3A_214 : memref<128x16xi32, #tpu.memory_space<hbm>>) target(%arg5 : memref<128x16xi32, #tpu.memory_space<vmem>>) target_semaphore(%run_scoped3A : memref<!tpu.dma_semaphore, #tpu.memory_space<semaphore_mem>>)
        %dma_wait3A = arith.constant 0 : i32
        %dma_wait3A_215 = arith.constant 0 : i32
        %dma_wait3A_216 = tpu.memref_slice %arg2[%dma_wait3A, %dma_wait3A_215] : memref<2048x16xi32, #tpu.memory_space<hbm>> -> memref<128x16xi32, #tpu.memory_space<hbm>>
        %dma_wait3A_217 = arith.constant 0 : i32
        %dma_wait3A_218 = arith.constant 0 : i32
        %dma_wait3A_219 = tpu.memref_slice %arg2[%dma_wait3A_217, %dma_wait3A_218] : memref<2048x16xi32, #tpu.memory_space<hbm>> -> memref<128x16xi32, #tpu.memory_space<hbm>>
        tpu.wait_dma2 semaphore(%run_scoped3A : memref<!tpu.dma_semaphore, #tpu.memory_space<semaphore_mem>>) src(%dma_wait3A_219 : memref<128x16xi32, #tpu.memory_space<hbm>>) dst(%arg5 : memref<128x16xi32, #tpu.memory_space<vmem>>)
        tpu.yield
      }) : () -> ()
      %scan3A = arith.constant 0 : i32
      %scan3A_4 = arith.constant 128 : i32
      %scan3A_5 = arith.addi %scan3A, %scan3A_4 : i32
      %scan3A_6 = arith.constant 1 : i32
      %scan3A_7 = scf.for %scan3A_210 = %scan3A to %scan3A_5 step %scan3A_6 iter_args(%scan3A_211 = %broadcast_in_dim3A_3) -> (vector<16xi32>)  : i32 {
        %get3A = arith.index_cast %scan3A_210 : i32 to index
        %get3A_212 = arith.constant 0 : index
        %get3A_213 = tpu.vector_load %arg5[%get3A, %get3A_212] {strides = array<i32>} : memref<128x16xi32, #tpu.memory_space<vmem>>, vector<1x16xi32>,
        %get3A_214 = vector.shape_cast %get3A_213 : vector<1x16xi32> to vector<16xi32>
        %add3A_215 = arith.addi %scan3A_211, %get3A_214 : vector<16xi32>
        scf.yield %add3A_215 : vector<16xi32>
      }
      %scan3A_8 = arith.constant 128 : i32
      "tpu.region"() ({
        %run_scoped3A = tpu.sem_alloc : memref<!tpu.dma_semaphore, #tpu.memory_space<semaphore_mem>>
        %dma_start3A = arith.constant 128 : i32
        %dma_start3A_210 = arith.constant 0 : i32
        %dma_start3A_211 = tpu.memref_slice %arg2[%dma_start3A, %dma_start3A_210] : memref<2048x16xi32, #tpu.memory_space<hbm>> -> memref<128x16xi32, #tpu.memory_space<hbm>>
        %dma_start3A_212 = arith.constant 128 : i32
        %dma_start3A_213 = arith.constant 0 : i32
        %dma_start3A_214 = tpu.memref_slice %arg2[%dma_start3A_212, %dma_start3A_213] : memref<2048x16xi32, #tpu.memory_space<hbm>> -> memref<128x16xi32, #tpu.memory_space<hbm>>
        tpu.enqueue_dma source(%dma_start3A_214 : memref<128x16xi32, #tpu.memory_space<hbm>>) target(%arg5 : memref<128x16xi32, #tpu.memory_space<vmem>>) target_semaphore(%run_scoped3A : memref<!tpu.dma_semaphore, #tpu.memory_space<semaphore_mem>>)
        %dma_wait3A = arith.constant 128 : i32
        %dma_wait3A_215 = arith.constant 0 : i32
        %dma_wait3A_216 = tpu.memref_slice %arg2[%dma_wait3A, %dma_wait3A_215] : memref<2048x16xi32, #tpu.memory_space<hbm>> -> memref<128x16xi32, #tpu.memory_space<hbm>>
        %dma_wait3A_217 = arith.constant 128 : i32
        %dma_wait3A_218 = arith.constant 0 : i32
        %dma_wait3A_219 = tpu.memref_slice %arg2[%dma_wait3A_217, %dma_wait3A_218] : memref<2048x16xi32, #tpu.memory_space<hbm>> -> memref<128x16xi32, #tpu.memory_space<hbm>>
        tpu.wait_dma2 semaphore(%run_scoped3A : memref<!tpu.dma_semaphore, #tpu.memory_space<semaphore_mem>>) src(%dma_wait3A_219 : memref<128x16xi32, #tpu.memory_space<hbm>>) dst(%arg5 : memref<128x16xi32, #tpu.memory_space<vmem>>)
        tpu.yield
      }) : () -> ()
      %scan3A_9 = arith.constant 0 : i32
      %scan3A_10 = arith.constant 128 : i32
      %scan3A_11 = arith.addi %scan3A_9, %scan3A_10 : i32
      %scan3A_12 = arith.constant 1 : i32
      %scan3A_13 = scf.for %scan3A_210 = %scan3A_9 to %scan3A_11 step %scan3A_12 iter_args(%scan3A_211 = %scan3A_7) -> (vector<16xi32>)  : i32 {
        %get3A = arith.index_cast %scan3A_210 : i32 to index
        %get3A_212 = arith.constant 0 : index
        %get3A_213 = tpu.vector_load %arg5[%get3A, %get3A_212] {strides = array<i32>} : memref<128x16xi32, #tpu.memory_space<vmem>>, vector<1x16xi32>,
        %get3A_214 = vector.shape_cast %get3A_213 : vector<1x16xi32> to vector<16xi32>
        %add3A_215 = arith.addi %scan3A_211, %get3A_214 : vector<16xi32>
        scf.yield %add3A_215 : vector<16xi32>
      }
      %scan3A_14 = arith.constant 128 : i32
      "tpu.region"() ({
        %run_scoped3A = tpu.sem_alloc : memref<!tpu.dma_semaphore, #tpu.memory_space<semaphore_mem>>
        %dma_start3A = arith.constant 256 : i32
        %dma_start3A_210 = arith.constant 0 : i32
        %dma_start3A_211 = tpu.memref_slice %arg2[%dma_start3A, %dma_start3A_210] : memref<2048x16xi32, #tpu.memory_space<hbm>> -> memref<128x16xi32, #tpu.memory_space<hbm>>
        %dma_start3A_212 = arith.constant 256 : i32
        %dma_start3A_213 = arith.constant 0 : i32
        %dma_start3A_214 = tpu.memref_slice %arg2[%dma_start3A_212, %dma_start3A_213] : memref<2048x16xi32, #tpu.memory_space<hbm>> -> memref<128x16xi32, #tpu.memory_space<hbm>>
        tpu.enqueue_dma source(%dma_start3A_214 : memref<128x16xi32, #tpu.memory_space<hbm>>) target(%arg5 : memref<128x16xi32, #tpu.memory_space<vmem>>) target_semaphore(%run_scoped3A : memref<!tpu.dma_semaphore, #tpu.memory_space<semaphore_mem>>)
        %dma_wait3A = arith.constant 256 : i32
        %dma_wait3A_215 = arith.constant 0 : i32
        %dma_wait3A_216 = tpu.memref_slice %arg2[%dma_wait3A, %dma_wait3A_215] : memref<2048x16xi32, #tpu.memory_space<hbm>> -> memref<128x16xi32, #tpu.memory_space<hbm>>
        %dma_wait3A_217 = arith.constant 256 : i32
        %dma_wait3A_218 = arith.constant 0 : i32
        %dma_wait3A_219 = tpu.memref_slice %arg2[%dma_wait3A_217, %dma_wait3A_218] : memref<2048x16xi32, #tpu.memory_space<hbm>> -> memref<128x16xi32, #tpu.memory_space<hbm>>
        tpu.wait_dma2 semaphore(%run_scoped3A : memref<!tpu.dma_semaphore, #tpu.memory_space<semaphore_mem>>) src(%dma_wait3A_219 : memref<128x16xi32, #tpu.memory_space<hbm>>) dst(%arg5 : memref<128x16xi32, #tpu.memory_space<vmem>>)
        tpu.yield
      }) : () -> ()
      %scan3A_15 = arith.constant 0 : i32
      %scan3A_16 = arith.constant 128 : i32
      %scan3A_17 = arith.addi %scan3A_15, %scan3A_16 : i32
      %scan3A_18 = arith.constant 1 : i32
      %scan3A_19 = scf.for %scan3A_210 = %scan3A_15 to %scan3A_17 step %scan3A_18 iter_args(%scan3A_211 = %scan3A_13) -> (vector<16xi32>)  : i32 {
        %get3A = arith.index_cast %scan3A_210 : i32 to index
        %get3A_212 = arith.constant 0 : index
        %get3A_213 = tpu.vector_load %arg5[%get3A, %get3A_212] {strides = array<i32>} : memref<128x16xi32, #tpu.memory_space<vmem>>, vector<1x16xi32>,
        %get3A_214 = vector.shape_cast %get3A_213 : vector<1x16xi32> to vector<16xi32>
        %add3A_215 = arith.addi %scan3A_211, %get3A_214 : vector<16xi32>
        scf.yield %add3A_215 : vector<16xi32>
      }
      %scan3A_20 = arith.constant 128 : i32
      "tpu.region"() ({
        %run_scoped3A = tpu.sem_alloc : memref<!tpu.dma_semaphore, #tpu.memory_space<semaphore_mem>>
        %dma_start3A = arith.constant 384 : i32
        %dma_start3A_210 = arith.constant 0 : i32
        %dma_start3A_211 = tpu.memref_slice %arg2[%dma_start3A, %dma_start3A_210] : memref<2048x16xi32, #tpu.memory_space<hbm>> -> memref<128x16xi32, #tpu.memory_space<hbm>>
        %dma_start3A_212 = arith.constant 384 : i32
        %dma_start3A_213 = arith.constant 0 : i32
        %dma_start3A_214 = tpu.memref_slice %arg2[%dma_start3A_212, %dma_start3A_213] : memref<2048x16xi32, #tpu.memory_space<hbm>> -> memref<128x16xi32, #tpu.memory_space<hbm>>
        tpu.enqueue_dma source(%dma_start3A_214 : memref<128x16xi32, #tpu.memory_space<hbm>>) target(%arg5 : memref<128x16xi32, #tpu.memory_space<vmem>>) target_semaphore(%run_scoped3A : memref<!tpu.dma_semaphore, #tpu.memory_space<semaphore_mem>>)
        %dma_wait3A = arith.constant 384 : i32
        %dma_wait3A_215 = arith.constant 0 : i32
        %dma_wait3A_216 = tpu.memref_slice %arg2[%dma_wait3A, %dma_wait3A_215] : memref<2048x16xi32, #tpu.memory_space<hbm>> -> memref<128x16xi32, #tpu.memory_space<hbm>>
        %dma_wait3A_217 = arith.constant 384 : i32
        %dma_wait3A_218 = arith.constant 0 : i32
        %dma_wait3A_219 = tpu.memref_slice %arg2[%dma_wait3A_217, %dma_wait3A_218] : memref<2048x16xi32, #tpu.memory_space<hbm>> -> memref<128x16xi32, #tpu.memory_space<hbm>>
        tpu.wait_dma2 semaphore(%run_scoped3A : memref<!tpu.dma_semaphore, #tpu.memory_space<semaphore_mem>>) src(%dma_wait3A_219 : memref<128x16xi32, #tpu.memory_space<hbm>>) dst(%arg5 : memref<128x16xi32, #tpu.memory_space<vmem>>)
        tpu.yield
      }) : () -> ()
      %scan3A_21 = arith.constant 0 : i32
      %scan3A_22 = arith.constant 128 : i32
      %scan3A_23 = arith.addi %scan3A_21, %scan3A_22 : i32
      %scan3A_24 = arith.constant 1 : i32
      %scan3A_25 = scf.for %scan3A_210 = %scan3A_21 to %scan3A_23 step %scan3A_24 iter_args(%scan3A_211 = %scan3A_19) -> (vector<16xi32>)  : i32 {
        %get3A = arith.index_cast %scan3A_210 : i32 to index
        %get3A_212 = arith.constant 0 : index
        %get3A_213 = tpu.vector_load %arg5[%get3A, %get3A_212] {strides = array<i32>} : memref<128x16xi32, #tpu.memory_space<vmem>>, vector<1x16xi32>,
        %get3A_214 = vector.shape_cast %get3A_213 : vector<1x16xi32> to vector<16xi32>
        %add3A_215 = arith.addi %scan3A_211, %get3A_214 : vector<16xi32>
        scf.yield %add3A_215 : vector<16xi32>
      }
      %scan3A_26 = arith.constant 128 : i32
      "tpu.region"() ({
        %run_scoped3A = tpu.sem_alloc : memref<!tpu.dma_semaphore, #tpu.memory_space<semaphore_mem>>
        %dma_start3A = arith.constant 512 : i32
        %dma_start3A_210 = arith.constant 0 : i32
        %dma_start3A_211 = tpu.memref_slice %arg2[%dma_start3A, %dma_start3A_210] : memref<2048x16xi32, #tpu.memory_space<hbm>> -> memref<128x16xi32, #tpu.memory_space<hbm>>
        %dma_start3A_212 = arith.constant 512 : i32
        %dma_start3A_213 = arith.constant 0 : i32
        %dma_start3A_214 = tpu.memref_slice %arg2[%dma_start3A_212, %dma_start3A_213] : memref<2048x16xi32, #tpu.memory_space<hbm>> -> memref<128x16xi32, #tpu.memory_space<hbm>>
        tpu.enqueue_dma source(%dma_start3A_214 : memref<128x16xi32, #tpu.memory_space<hbm>>) target(%arg5 : memref<128x16xi32, #tpu.memory_space<vmem>>) target_semaphore(%run_scoped3A : memref<!tpu.dma_semaphore, #tpu.memory_space<semaphore_mem>>)
        %dma_wait3A = arith.constant 512 : i32
        %dma_wait3A_215 = arith.constant 0 : i32
        %dma_wait3A_216 = tpu.memref_slice %arg2[%dma_wait3A, %dma_wait3A_215] : memref<2048x16xi32, #tpu.memory_space<hbm>> -> memref<128x16xi32, #tpu.memory_space<hbm>>
        %dma_wait3A_217 = arith.constant 512 : i32
        %dma_wait3A_218 = arith.constant 0 : i32
        %dma_wait3A_219 = tpu.memref_slice %arg2[%dma_wait3A_217, %dma_wait3A_218] : memref<2048x16xi32, #tpu.memory_space<hbm>> -> memref<128x16xi32, #tpu.memory_space<hbm>>
        tpu.wait_dma2 semaphore(%run_scoped3A : memref<!tpu.dma_semaphore, #tpu.memory_space<semaphore_mem>>) src(%dma_wait3A_219 : memref<128x16xi32, #tpu.memory_space<hbm>>) dst(%arg5 : memref<128x16xi32, #tpu.memory_space<vmem>>)
        tpu.yield
      }) : () -> ()
      %scan3A_27 = arith.constant 0 : i32
      %scan3A_28 = arith.constant 128 : i32
      %scan3A_29 = arith.addi %scan3A_27, %scan3A_28 : i32
      %scan3A_30 = arith.constant 1 : i32
      %scan3A_31 = scf.for %scan3A_210 = %scan3A_27 to %scan3A_29 step %scan3A_30 iter_args(%scan3A_211 = %scan3A_25) -> (vector<16xi32>)  : i32 {
        %get3A = arith.index_cast %scan3A_210 : i32 to index
        %get3A_212 = arith.constant 0 : index
        %get3A_213 = tpu.vector_load %arg5[%get3A, %get3A_212] {strides = array<i32>} : memref<128x16xi32, #tpu.memory_space<vmem>>, vector<1x16xi32>,
        %get3A_214 = vector.shape_cast %get3A_213 : vector<1x16xi32> to vector<16xi32>
        %add3A_215 = arith.addi %scan3A_211, %get3A_214 : vector<16xi32>
        scf.yield %add3A_215 : vector<16xi32>
      }
      %scan3A_32 = arith.constant 128 : i32
      "tpu.region"() ({
        %run_scoped3A = tpu.sem_alloc : memref<!tpu.dma_semaphore, #tpu.memory_space<semaphore_mem>>
        %dma_start3A = arith.constant 640 : i32
        %dma_start3A_210 = arith.constant 0 : i32
        %dma_start3A_211 = tpu.memref_slice %arg2[%dma_start3A, %dma_start3A_210] : memref<2048x16xi32, #tpu.memory_space<hbm>> -> memref<128x16xi32, #tpu.memory_space<hbm>>
        %dma_start3A_212 = arith.constant 640 : i32
        %dma_start3A_213 = arith.constant 0 : i32
        %dma_start3A_214 = tpu.memref_slice %arg2[%dma_start3A_212, %dma_start3A_213] : memref<2048x16xi32, #tpu.memory_space<hbm>> -> memref<128x16xi32, #tpu.memory_space<hbm>>
        tpu.enqueue_dma source(%dma_start3A_214 : memref<128x16xi32, #tpu.memory_space<hbm>>) target(%arg5 : memref<128x16xi32, #tpu.memory_space<vmem>>) target_semaphore(%run_scoped3A : memref<!tpu.dma_semaphore, #tpu.memory_space<semaphore_mem>>)
        %dma_wait3A = arith.constant 640 : i32
        %dma_wait3A_215 = arith.constant 0 : i32
        %dma_wait3A_216 = tpu.memref_slice %arg2[%dma_wait3A, %dma_wait3A_215] : memref<2048x16xi32, #tpu.memory_space<hbm>> -> memref<128x16xi32, #tpu.memory_space<hbm>>
        %dma_wait3A_217 = arith.constant 640 : i32
        %dma_wait3A_218 = arith.constant 0 : i32
        %dma_wait3A_219 = tpu.memref_slice %arg2[%dma_wait3A_217, %dma_wait3A_218] : memref<2048x16xi32, #tpu.memory_space<hbm>> -> memref<128x16xi32, #tpu.memory_space<hbm>>
        tpu.wait_dma2 semaphore(%run_scoped3A : memref<!tpu.dma_semaphore, #tpu.memory_space<semaphore_mem>>) src(%dma_wait3A_219 : memref<128x16xi32, #tpu.memory_space<hbm>>) dst(%arg5 : memref<128x16xi32, #tpu.memory_space<vmem>>)
        tpu.yield
      }) : () -> ()
      %scan3A_33 = arith.constant 0 : i32
      %scan3A_34 = arith.constant 128 : i32
      %scan3A_35 = arith.addi %scan3A_33, %scan3A_34 : i32
      %scan3A_36 = arith.constant 1 : i32
      %scan3A_37 = scf.for %scan3A_210 = %scan3A_33 to %scan3A_35 step %scan3A_36 iter_args(%scan3A_211 = %scan3A_31) -> (vector<16xi32>)  : i32 {
        %get3A = arith.index_cast %scan3A_210 : i32 to index
        %get3A_212 = arith.constant 0 : index
        %get3A_213 = tpu.vector_load %arg5[%get3A, %get3A_212] {strides = array<i32>} : memref<128x16xi32, #tpu.memory_space<vmem>>, vector<1x16xi32>,
        %get3A_214 = vector.shape_cast %get3A_213 : vector<1x16xi32> to vector<16xi32>
        %add3A_215 = arith.addi %scan3A_211, %get3A_214 : vector<16xi32>
        scf.yield %add3A_215 : vector<16xi32>
      }
      %scan3A_38 = arith.constant 128 : i32
      "tpu.region"() ({
        %run_scoped3A = tpu.sem_alloc : memref<!tpu.dma_semaphore, #tpu.memory_space<semaphore_mem>>
        %dma_start3A = arith.constant 768 : i32
        %dma_start3A_210 = arith.constant 0 : i32
        %dma_start3A_211 = tpu.memref_slice %arg2[%dma_start3A, %dma_start3A_210] : memref<2048x16xi32, #tpu.memory_space<hbm>> -> memref<128x16xi32, #tpu.memory_space<hbm>>
        %dma_start3A_212 = arith.constant 768 : i32
        %dma_start3A_213 = arith.constant 0 : i32
        %dma_start3A_214 = tpu.memref_slice %arg2[%dma_start3A_212, %dma_start3A_213] : memref<2048x16xi32, #tpu.memory_space<hbm>> -> memref<128x16xi32, #tpu.memory_space<hbm>>
        tpu.enqueue_dma source(%dma_start3A_214 : memref<128x16xi32, #tpu.memory_space<hbm>>) target(%arg5 : memref<128x16xi32, #tpu.memory_space<vmem>>) target_semaphore(%run_scoped3A : memref<!tpu.dma_semaphore, #tpu.memory_space<semaphore_mem>>)
        %dma_wait3A = arith.constant 768 : i32
        %dma_wait3A_215 = arith.constant 0 : i32
        %dma_wait3A_216 = tpu.memref_slice %arg2[%dma_wait3A, %dma_wait3A_215] : memref<2048x16xi32, #tpu.memory_space<hbm>> -> memref<128x16xi32, #tpu.memory_space<hbm>>
        %dma_wait3A_217 = arith.constant 768 : i32
        %dma_wait3A_218 = arith.constant 0 : i32
        %dma_wait3A_219 = tpu.memref_slice %arg2[%dma_wait3A_217, %dma_wait3A_218] : memref<2048x16xi32, #tpu.memory_space<hbm>> -> memref<128x16xi32, #tpu.memory_space<hbm>>
        tpu.wait_dma2 semaphore(%run_scoped3A : memref<!tpu.dma_semaphore, #tpu.memory_space<semaphore_mem>>) src(%dma_wait3A_219 : memref<128x16xi32, #tpu.memory_space<hbm>>) dst(%arg5 : memref<128x16xi32, #tpu.memory_space<vmem>>)
        tpu.yield
      }) : () -> ()
      %scan3A_39 = arith.constant 0 : i32
      %scan3A_40 = arith.constant 128 : i32
      %scan3A_41 = arith.addi %scan3A_39, %scan3A_40 : i32
      %scan3A_42 = arith.constant 1 : i32
      %scan3A_43 = scf.for %scan3A_210 = %scan3A_39 to %scan3A_41 step %scan3A_42 iter_args(%scan3A_211 = %scan3A_37) -> (vector<16xi32>)  : i32 {
        %get3A = arith.index_cast %scan3A_210 : i32 to index
        %get3A_212 = arith.constant 0 : index
        %get3A_213 = tpu.vector_load %arg5[%get3A, %get3A_212] {strides = array<i32>} : memref<128x16xi32, #tpu.memory_space<vmem>>, vector<1x16xi32>,
        %get3A_214 = vector.shape_cast %get3A_213 : vector<1x16xi32> to vector<16xi32>
        %add3A_215 = arith.addi %scan3A_211, %get3A_214 : vector<16xi32>
        scf.yield %add3A_215 : vector<16xi32>
      }
      %scan3A_44 = arith.constant 128 : i32
      "tpu.region"() ({
        %run_scoped3A = tpu.sem_alloc : memref<!tpu.dma_semaphore, #tpu.memory_space<semaphore_mem>>
        %dma_start3A = arith.constant 896 : i32
        %dma_start3A_210 = arith.constant 0 : i32
        %dma_start3A_211 = tpu.memref_slice %arg2[%dma_start3A, %dma_start3A_210] : memref<2048x16xi32, #tpu.memory_space<hbm>> -> memref<128x16xi32, #tpu.memory_space<hbm>>
        %dma_start3A_212 = arith.constant 896 : i32
        %dma_start3A_213 = arith.constant 0 : i32
        %dma_start3A_214 = tpu.memref_slice %arg2[%dma_start3A_212, %dma_start3A_213] : memref<2048x16xi32, #tpu.memory_space<hbm>> -> memref<128x16xi32, #tpu.memory_space<hbm>>
        tpu.enqueue_dma source(%dma_start3A_214 : memref<128x16xi32, #tpu.memory_space<hbm>>) target(%arg5 : memref<128x16xi32, #tpu.memory_space<vmem>>) target_semaphore(%run_scoped3A : memref<!tpu.dma_semaphore, #tpu.memory_space<semaphore_mem>>)
        %dma_wait3A = arith.constant 896 : i32
        %dma_wait3A_215 = arith.constant 0 : i32
        %dma_wait3A_216 = tpu.memref_slice %arg2[%dma_wait3A, %dma_wait3A_215] : memref<2048x16xi32, #tpu.memory_space<hbm>> -> memref<128x16xi32, #tpu.memory_space<hbm>>
        %dma_wait3A_217 = arith.constant 896 : i32
        %dma_wait3A_218 = arith.constant 0 : i32
        %dma_wait3A_219 = tpu.memref_slice %arg2[%dma_wait3A_217, %dma_wait3A_218] : memref<2048x16xi32, #tpu.memory_space<hbm>> -> memref<128x16xi32, #tpu.memory_space<hbm>>
        tpu.wait_dma2 semaphore(%run_scoped3A : memref<!tpu.dma_semaphore, #tpu.memory_space<semaphore_mem>>) src(%dma_wait3A_219 : memref<128x16xi32, #tpu.memory_space<hbm>>) dst(%arg5 : memref<128x16xi32, #tpu.memory_space<vmem>>)
        tpu.yield
      }) : () -> ()
      %scan3A_45 = arith.constant 0 : i32
      %scan3A_46 = arith.constant 128 : i32
      %scan3A_47 = arith.addi %scan3A_45, %scan3A_46 : i32
      %scan3A_48 = arith.constant 1 : i32
      %scan3A_49 = scf.for %scan3A_210 = %scan3A_45 to %scan3A_47 step %scan3A_48 iter_args(%scan3A_211 = %scan3A_43) -> (vector<16xi32>)  : i32 {
        %get3A = arith.index_cast %scan3A_210 : i32 to index
        %get3A_212 = arith.constant 0 : index
        %get3A_213 = tpu.vector_load %arg5[%get3A, %get3A_212] {strides = array<i32>} : memref<128x16xi32, #tpu.memory_space<vmem>>, vector<1x16xi32>,
        %get3A_214 = vector.shape_cast %get3A_213 : vector<1x16xi32> to vector<16xi32>
        %add3A_215 = arith.addi %scan3A_211, %get3A_214 : vector<16xi32>
        scf.yield %add3A_215 : vector<16xi32>
      }
      %scan3A_50 = arith.constant 128 : i32
      "tpu.region"() ({
        %run_scoped3A = tpu.sem_alloc : memref<!tpu.dma_semaphore, #tpu.memory_space<semaphore_mem>>
        %dma_start3A = arith.constant 1024 : i32
        %dma_start3A_210 = arith.constant 0 : i32
        %dma_start3A_211 = tpu.memref_slice %arg2[%dma_start3A, %dma_start3A_210] : memref<2048x16xi32, #tpu.memory_space<hbm>> -> memref<128x16xi32, #tpu.memory_space<hbm>>
        %dma_start3A_212 = arith.constant 1024 : i32
        %dma_start3A_213 = arith.constant 0 : i32
        %dma_start3A_214 = tpu.memref_slice %arg2[%dma_start3A_212, %dma_start3A_213] : memref<2048x16xi32, #tpu.memory_space<hbm>> -> memref<128x16xi32, #tpu.memory_space<hbm>>
        tpu.enqueue_dma source(%dma_start3A_214 : memref<128x16xi32, #tpu.memory_space<hbm>>) target(%arg5 : memref<128x16xi32, #tpu.memory_space<vmem>>) target_semaphore(%run_scoped3A : memref<!tpu.dma_semaphore, #tpu.memory_space<semaphore_mem>>)
        %dma_wait3A = arith.constant 1024 : i32
        %dma_wait3A_215 = arith.constant 0 : i32
        %dma_wait3A_216 = tpu.memref_slice %arg2[%dma_wait3A, %dma_wait3A_215] : memref<2048x16xi32, #tpu.memory_space<hbm>> -> memref<128x16xi32, #tpu.memory_space<hbm>>
        %dma_wait3A_217 = arith.constant 1024 : i32
        %dma_wait3A_218 = arith.constant 0 : i32
        %dma_wait3A_219 = tpu.memref_slice %arg2[%dma_wait3A_217, %dma_wait3A_218] : memref<2048x16xi32, #tpu.memory_space<hbm>> -> memref<128x16xi32, #tpu.memory_space<hbm>>
        tpu.wait_dma2 semaphore(%run_scoped3A : memref<!tpu.dma_semaphore, #tpu.memory_space<semaphore_mem>>) src(%dma_wait3A_219 : memref<128x16xi32, #tpu.memory_space<hbm>>) dst(%arg5 : memref<128x16xi32, #tpu.memory_space<vmem>>)
        tpu.yield
      }) : () -> ()
      %scan3A_51 = arith.constant 0 : i32
      %scan3A_52 = arith.constant 128 : i32
      %scan3A_53 = arith.addi %scan3A_51, %scan3A_52 : i32
      %scan3A_54 = arith.constant 1 : i32
      %scan3A_55 = scf.for %scan3A_210 = %scan3A_51 to %scan3A_53 step %scan3A_54 iter_args(%scan3A_211 = %scan3A_49) -> (vector<16xi32>)  : i32 {
        %get3A = arith.index_cast %scan3A_210 : i32 to index
        %get3A_212 = arith.constant 0 : index
        %get3A_213 = tpu.vector_load %arg5[%get3A, %get3A_212] {strides = array<i32>} : memref<128x16xi32, #tpu.memory_space<vmem>>, vector<1x16xi32>,
        %get3A_214 = vector.shape_cast %get3A_213 : vector<1x16xi32> to vector<16xi32>
        %add3A_215 = arith.addi %scan3A_211, %get3A_214 : vector<16xi32>
        scf.yield %add3A_215 : vector<16xi32>
      }
      %scan3A_56 = arith.constant 128 : i32
      "tpu.region"() ({
        %run_scoped3A = tpu.sem_alloc : memref<!tpu.dma_semaphore, #tpu.memory_space<semaphore_mem>>
        %dma_start3A = arith.constant 1152 : i32
        %dma_start3A_210 = arith.constant 0 : i32
        %dma_start3A_211 = tpu.memref_slice %arg2[%dma_start3A, %dma_start3A_210] : memref<2048x16xi32, #tpu.memory_space<hbm>> -> memref<128x16xi32, #tpu.memory_space<hbm>>
        %dma_start3A_212 = arith.constant 1152 : i32
        %dma_start3A_213 = arith.constant 0 : i32
        %dma_start3A_214 = tpu.memref_slice %arg2[%dma_start3A_212, %dma_start3A_213] : memref<2048x16xi32, #tpu.memory_space<hbm>> -> memref<128x16xi32, #tpu.memory_space<hbm>>
        tpu.enqueue_dma source(%dma_start3A_214 : memref<128x16xi32, #tpu.memory_space<hbm>>) target(%arg5 : memref<128x16xi32, #tpu.memory_space<vmem>>) target_semaphore(%run_scoped3A : memref<!tpu.dma_semaphore, #tpu.memory_space<semaphore_mem>>)
        %dma_wait3A = arith.constant 1152 : i32
        %dma_wait3A_215 = arith.constant 0 : i32
        %dma_wait3A_216 = tpu.memref_slice %arg2[%dma_wait3A, %dma_wait3A_215] : memref<2048x16xi32, #tpu.memory_space<hbm>> -> memref<128x16xi32, #tpu.memory_space<hbm>>
        %dma_wait3A_217 = arith.constant 1152 : i32
        %dma_wait3A_218 = arith.constant 0 : i32
        %dma_wait3A_219 = tpu.memref_slice %arg2[%dma_wait3A_217, %dma_wait3A_218] : memref<2048x16xi32, #tpu.memory_space<hbm>> -> memref<128x16xi32, #tpu.memory_space<hbm>>
        tpu.wait_dma2 semaphore(%run_scoped3A : memref<!tpu.dma_semaphore, #tpu.memory_space<semaphore_mem>>) src(%dma_wait3A_219 : memref<128x16xi32, #tpu.memory_space<hbm>>) dst(%arg5 : memref<128x16xi32, #tpu.memory_space<vmem>>)
        tpu.yield
      }) : () -> ()
      %scan3A_57 = arith.constant 0 : i32
      %scan3A_58 = arith.constant 128 : i32
      %scan3A_59 = arith.addi %scan3A_57, %scan3A_58 : i32
      %scan3A_60 = arith.constant 1 : i32
      %scan3A_61 = scf.for %scan3A_210 = %scan3A_57 to %scan3A_59 step %scan3A_60 iter_args(%scan3A_211 = %scan3A_55) -> (vector<16xi32>)  : i32 {
        %get3A = arith.index_cast %scan3A_210 : i32 to index
        %get3A_212 = arith.constant 0 : index
        %get3A_213 = tpu.vector_load %arg5[%get3A, %get3A_212] {strides = array<i32>} : memref<128x16xi32, #tpu.memory_space<vmem>>, vector<1x16xi32>,
        %get3A_214 = vector.shape_cast %get3A_213 : vector<1x16xi32> to vector<16xi32>
        %add3A_215 = arith.addi %scan3A_211, %get3A_214 : vector<16xi32>
        scf.yield %add3A_215 : vector<16xi32>
      }
      %scan3A_62 = arith.constant 128 : i32
      "tpu.region"() ({
        %run_scoped3A = tpu.sem_alloc : memref<!tpu.dma_semaphore, #tpu.memory_space<semaphore_mem>>
        %dma_start3A = arith.constant 1280 : i32
        %dma_start3A_210 = arith.constant 0 : i32
        %dma_start3A_211 = tpu.memref_slice %arg2[%dma_start3A, %dma_start3A_210] : memref<2048x16xi32, #tpu.memory_space<hbm>> -> memref<128x16xi32, #tpu.memory_space<hbm>>
        %dma_start3A_212 = arith.constant 1280 : i32
        %dma_start3A_213 = arith.constant 0 : i32
        %dma_start3A_214 = tpu.memref_slice %arg2[%dma_start3A_212, %dma_start3A_213] : memref<2048x16xi32, #tpu.memory_space<hbm>> -> memref<128x16xi32, #tpu.memory_space<hbm>>
        tpu.enqueue_dma source(%dma_start3A_214 : memref<128x16xi32, #tpu.memory_space<hbm>>) target(%arg5 : memref<128x16xi32, #tpu.memory_space<vmem>>) target_semaphore(%run_scoped3A : memref<!tpu.dma_semaphore, #tpu.memory_space<semaphore_mem>>)
        %dma_wait3A = arith.constant 1280 : i32
        %dma_wait3A_215 = arith.constant 0 : i32
        %dma_wait3A_216 = tpu.memref_slice %arg2[%dma_wait3A, %dma_wait3A_215] : memref<2048x16xi32, #tpu.memory_space<hbm>> -> memref<128x16xi32, #tpu.memory_space<hbm>>
        %dma_wait3A_217 = arith.constant 1280 : i32
        %dma_wait3A_218 = arith.constant 0 : i32
        %dma_wait3A_219 = tpu.memref_slice %arg2[%dma_wait3A_217, %dma_wait3A_218] : memref<2048x16xi32, #tpu.memory_space<hbm>> -> memref<128x16xi32, #tpu.memory_space<hbm>>
        tpu.wait_dma2 semaphore(%run_scoped3A : memref<!tpu.dma_semaphore, #tpu.memory_space<semaphore_mem>>) src(%dma_wait3A_219 : memref<128x16xi32, #tpu.memory_space<hbm>>) dst(%arg5 : memref<128x16xi32, #tpu.memory_space<vmem>>)
        tpu.yield
      }) : () -> ()
      %scan3A_63 = arith.constant 0 : i32
      %scan3A_64 = arith.constant 128 : i32
      %scan3A_65 = arith.addi %scan3A_63, %scan3A_64 : i32
      %scan3A_66 = arith.constant 1 : i32
      %scan3A_67 = scf.for %scan3A_210 = %scan3A_63 to %scan3A_65 step %scan3A_66 iter_args(%scan3A_211 = %scan3A_61) -> (vector<16xi32>)  : i32 {
        %get3A = arith.index_cast %scan3A_210 : i32 to index
        %get3A_212 = arith.constant 0 : index
        %get3A_213 = tpu.vector_load %arg5[%get3A, %get3A_212] {strides = array<i32>} : memref<128x16xi32, #tpu.memory_space<vmem>>, vector<1x16xi32>,
        %get3A_214 = vector.shape_cast %get3A_213 : vector<1x16xi32> to vector<16xi32>
        %add3A_215 = arith.addi %scan3A_211, %get3A_214 : vector<16xi32>
        scf.yield %add3A_215 : vector<16xi32>
      }
      %scan3A_68 = arith.constant 128 : i32
      "tpu.region"() ({
        %run_scoped3A = tpu.sem_alloc : memref<!tpu.dma_semaphore, #tpu.memory_space<semaphore_mem>>
        %dma_start3A = arith.constant 1408 : i32
        %dma_start3A_210 = arith.constant 0 : i32
        %dma_start3A_211 = tpu.memref_slice %arg2[%dma_start3A, %dma_start3A_210] : memref<2048x16xi32, #tpu.memory_space<hbm>> -> memref<128x16xi32, #tpu.memory_space<hbm>>
        %dma_start3A_212 = arith.constant 1408 : i32
        %dma_start3A_213 = arith.constant 0 : i32
        %dma_start3A_214 = tpu.memref_slice %arg2[%dma_start3A_212, %dma_start3A_213] : memref<2048x16xi32, #tpu.memory_space<hbm>> -> memref<128x16xi32, #tpu.memory_space<hbm>>
        tpu.enqueue_dma source(%dma_start3A_214 : memref<128x16xi32, #tpu.memory_space<hbm>>) target(%arg5 : memref<128x16xi32, #tpu.memory_space<vmem>>) target_semaphore(%run_scoped3A : memref<!tpu.dma_semaphore, #tpu.memory_space<semaphore_mem>>)
        %dma_wait3A = arith.constant 1408 : i32
        %dma_wait3A_215 = arith.constant 0 : i32
        %dma_wait3A_216 = tpu.memref_slice %arg2[%dma_wait3A, %dma_wait3A_215] : memref<2048x16xi32, #tpu.memory_space<hbm>> -> memref<128x16xi32, #tpu.memory_space<hbm>>
        %dma_wait3A_217 = arith.constant 1408 : i32
        %dma_wait3A_218 = arith.constant 0 : i32
        %dma_wait3A_219 = tpu.memref_slice %arg2[%dma_wait3A_217, %dma_wait3A_218] : memref<2048x16xi32, #tpu.memory_space<hbm>> -> memref<128x16xi32, #tpu.memory_space<hbm>>
        tpu.wait_dma2 semaphore(%run_scoped3A : memref<!tpu.dma_semaphore, #tpu.memory_space<semaphore_mem>>) src(%dma_wait3A_219 : memref<128x16xi32, #tpu.memory_space<hbm>>) dst(%arg5 : memref<128x16xi32, #tpu.memory_space<vmem>>)
        tpu.yield
      }) : () -> ()
      %scan3A_69 = arith.constant 0 : i32
      %scan3A_70 = arith.constant 128 : i32
      %scan3A_71 = arith.addi %scan3A_69, %scan3A_70 : i32
      %scan3A_72 = arith.constant 1 : i32
      %scan3A_73 = scf.for %scan3A_210 = %scan3A_69 to %scan3A_71 step %scan3A_72 iter_args(%scan3A_211 = %scan3A_67) -> (vector<16xi32>)  : i32 {
        %get3A = arith.index_cast %scan3A_210 : i32 to index
        %get3A_212 = arith.constant 0 : index
        %get3A_213 = tpu.vector_load %arg5[%get3A, %get3A_212] {strides = array<i32>} : memref<128x16xi32, #tpu.memory_space<vmem>>, vector<1x16xi32>,
        %get3A_214 = vector.shape_cast %get3A_213 : vector<1x16xi32> to vector<16xi32>
        %add3A_215 = arith.addi %scan3A_211, %get3A_214 : vector<16xi32>
        scf.yield %add3A_215 : vector<16xi32>
      }
      %scan3A_74 = arith.constant 128 : i32
      "tpu.region"() ({
        %run_scoped3A = tpu.sem_alloc : memref<!tpu.dma_semaphore, #tpu.memory_space<semaphore_mem>>
        %dma_start3A = arith.constant 1536 : i32
        %dma_start3A_210 = arith.constant 0 : i32
        %dma_start3A_211 = tpu.memref_slice %arg2[%dma_start3A, %dma_start3A_210] : memref<2048x16xi32, #tpu.memory_space<hbm>> -> memref<128x16xi32, #tpu.memory_space<hbm>>
        %dma_start3A_212 = arith.constant 1536 : i32
        %dma_start3A_213 = arith.constant 0 : i32
        %dma_start3A_214 = tpu.memref_slice %arg2[%dma_start3A_212, %dma_start3A_213] : memref<2048x16xi32, #tpu.memory_space<hbm>> -> memref<128x16xi32, #tpu.memory_space<hbm>>
        tpu.enqueue_dma source(%dma_start3A_214 : memref<128x16xi32, #tpu.memory_space<hbm>>) target(%arg5 : memref<128x16xi32, #tpu.memory_space<vmem>>) target_semaphore(%run_scoped3A : memref<!tpu.dma_semaphore, #tpu.memory_space<semaphore_mem>>)
        %dma_wait3A = arith.constant 1536 : i32
        %dma_wait3A_215 = arith.constant 0 : i32
        %dma_wait3A_216 = tpu.memref_slice %arg2[%dma_wait3A, %dma_wait3A_215] : memref<2048x16xi32, #tpu.memory_space<hbm>> -> memref<128x16xi32, #tpu.memory_space<hbm>>
        %dma_wait3A_217 = arith.constant 1536 : i32
        %dma_wait3A_218 = arith.constant 0 : i32
        %dma_wait3A_219 = tpu.memref_slice %arg2[%dma_wait3A_217, %dma_wait3A_218] : memref<2048x16xi32, #tpu.memory_space<hbm>> -> memref<128x16xi32, #tpu.memory_space<hbm>>
        tpu.wait_dma2 semaphore(%run_scoped3A : memref<!tpu.dma_semaphore, #tpu.memory_space<semaphore_mem>>) src(%dma_wait3A_219 : memref<128x16xi32, #tpu.memory_space<hbm>>) dst(%arg5 : memref<128x16xi32, #tpu.memory_space<vmem>>)
        tpu.yield
      }) : () -> ()
      %scan3A_75 = arith.constant 0 : i32
      %scan3A_76 = arith.constant 128 : i32
      %scan3A_77 = arith.addi %scan3A_75, %scan3A_76 : i32
      %scan3A_78 = arith.constant 1 : i32
      %scan3A_79 = scf.for %scan3A_210 = %scan3A_75 to %scan3A_77 step %scan3A_78 iter_args(%scan3A_211 = %scan3A_73) -> (vector<16xi32>)  : i32 {
        %get3A = arith.index_cast %scan3A_210 : i32 to index
        %get3A_212 = arith.constant 0 : index
        %get3A_213 = tpu.vector_load %arg5[%get3A, %get3A_212] {strides = array<i32>} : memref<128x16xi32, #tpu.memory_space<vmem>>, vector<1x16xi32>,
        %get3A_214 = vector.shape_cast %get3A_213 : vector<1x16xi32> to vector<16xi32>
        %add3A_215 = arith.addi %scan3A_211, %get3A_214 : vector<16xi32>
        scf.yield %add3A_215 : vector<16xi32>
      }
      %scan3A_80 = arith.constant 128 : i32
      "tpu.region"() ({
        %run_scoped3A = tpu.sem_alloc : memref<!tpu.dma_semaphore, #tpu.memory_space<semaphore_mem>>
        %dma_start3A = arith.constant 1664 : i32
        %dma_start3A_210 = arith.constant 0 : i32
        %dma_start3A_211 = tpu.memref_slice %arg2[%dma_start3A, %dma_start3A_210] : memref<2048x16xi32, #tpu.memory_space<hbm>> -> memref<128x16xi32, #tpu.memory_space<hbm>>
        %dma_start3A_212 = arith.constant 1664 : i32
        %dma_start3A_213 = arith.constant 0 : i32
        %dma_start3A_214 = tpu.memref_slice %arg2[%dma_start3A_212, %dma_start3A_213] : memref<2048x16xi32, #tpu.memory_space<hbm>> -> memref<128x16xi32, #tpu.memory_space<hbm>>
        tpu.enqueue_dma source(%dma_start3A_214 : memref<128x16xi32, #tpu.memory_space<hbm>>) target(%arg5 : memref<128x16xi32, #tpu.memory_space<vmem>>) target_semaphore(%run_scoped3A : memref<!tpu.dma_semaphore, #tpu.memory_space<semaphore_mem>>)
        %dma_wait3A = arith.constant 1664 : i32
        %dma_wait3A_215 = arith.constant 0 : i32
        %dma_wait3A_216 = tpu.memref_slice %arg2[%dma_wait3A, %dma_wait3A_215] : memref<2048x16xi32, #tpu.memory_space<hbm>> -> memref<128x16xi32, #tpu.memory_space<hbm>>
        %dma_wait3A_217 = arith.constant 1664 : i32
        %dma_wait3A_218 = arith.constant 0 : i32
        %dma_wait3A_219 = tpu.memref_slice %arg2[%dma_wait3A_217, %dma_wait3A_218] : memref<2048x16xi32, #tpu.memory_space<hbm>> -> memref<128x16xi32, #tpu.memory_space<hbm>>
        tpu.wait_dma2 semaphore(%run_scoped3A : memref<!tpu.dma_semaphore, #tpu.memory_space<semaphore_mem>>) src(%dma_wait3A_219 : memref<128x16xi32, #tpu.memory_space<hbm>>) dst(%arg5 : memref<128x16xi32, #tpu.memory_space<vmem>>)
        tpu.yield
      }) : () -> ()
      %scan3A_81 = arith.constant 0 : i32
      %scan3A_82 = arith.constant 128 : i32
      %scan3A_83 = arith.addi %scan3A_81, %scan3A_82 : i32
      %scan3A_84 = arith.constant 1 : i32
      %scan3A_85 = scf.for %scan3A_210 = %scan3A_81 to %scan3A_83 step %scan3A_84 iter_args(%scan3A_211 = %scan3A_79) -> (vector<16xi32>)  : i32 {
        %get3A = arith.index_cast %scan3A_210 : i32 to index
        %get3A_212 = arith.constant 0 : index
        %get3A_213 = tpu.vector_load %arg5[%get3A, %get3A_212] {strides = array<i32>} : memref<128x16xi32, #tpu.memory_space<vmem>>, vector<1x16xi32>,
        %get3A_214 = vector.shape_cast %get3A_213 : vector<1x16xi32> to vector<16xi32>
        %add3A_215 = arith.addi %scan3A_211, %get3A_214 : vector<16xi32>
        scf.yield %add3A_215 : vector<16xi32>
      }
      %scan3A_86 = arith.constant 128 : i32
      "tpu.region"() ({
        %run_scoped3A = tpu.sem_alloc : memref<!tpu.dma_semaphore, #tpu.memory_space<semaphore_mem>>
        %dma_start3A = arith.constant 1792 : i32
        %dma_start3A_210 = arith.constant 0 : i32
        %dma_start3A_211 = tpu.memref_slice %arg2[%dma_start3A, %dma_start3A_210] : memref<2048x16xi32, #tpu.memory_space<hbm>> -> memref<128x16xi32, #tpu.memory_space<hbm>>
        %dma_start3A_212 = arith.constant 1792 : i32
        %dma_start3A_213 = arith.constant 0 : i32
        %dma_start3A_214 = tpu.memref_slice %arg2[%dma_start3A_212, %dma_start3A_213] : memref<2048x16xi32, #tpu.memory_space<hbm>> -> memref<128x16xi32, #tpu.memory_space<hbm>>
        tpu.enqueue_dma source(%dma_start3A_214 : memref<128x16xi32, #tpu.memory_space<hbm>>) target(%arg5 : memref<128x16xi32, #tpu.memory_space<vmem>>) target_semaphore(%run_scoped3A : memref<!tpu.dma_semaphore, #tpu.memory_space<semaphore_mem>>)
        %dma_wait3A = arith.constant 1792 : i32
        %dma_wait3A_215 = arith.constant 0 : i32
        %dma_wait3A_216 = tpu.memref_slice %arg2[%dma_wait3A, %dma_wait3A_215] : memref<2048x16xi32, #tpu.memory_space<hbm>> -> memref<128x16xi32, #tpu.memory_space<hbm>>
        %dma_wait3A_217 = arith.constant 1792 : i32
        %dma_wait3A_218 = arith.constant 0 : i32
        %dma_wait3A_219 = tpu.memref_slice %arg2[%dma_wait3A_217, %dma_wait3A_218] : memref<2048x16xi32, #tpu.memory_space<hbm>> -> memref<128x16xi32, #tpu.memory_space<hbm>>
        tpu.wait_dma2 semaphore(%run_scoped3A : memref<!tpu.dma_semaphore, #tpu.memory_space<semaphore_mem>>) src(%dma_wait3A_219 : memref<128x16xi32, #tpu.memory_space<hbm>>) dst(%arg5 : memref<128x16xi32, #tpu.memory_space<vmem>>)
        tpu.yield
      }) : () -> ()
      %scan3A_87 = arith.constant 0 : i32
      %scan3A_88 = arith.constant 128 : i32
      %scan3A_89 = arith.addi %scan3A_87, %scan3A_88 : i32
      %scan3A_90 = arith.constant 1 : i32
      %scan3A_91 = scf.for %scan3A_210 = %scan3A_87 to %scan3A_89 step %scan3A_90 iter_args(%scan3A_211 = %scan3A_85) -> (vector<16xi32>)  : i32 {
        %get3A = arith.index_cast %scan3A_210 : i32 to index
        %get3A_212 = arith.constant 0 : index
        %get3A_213 = tpu.vector_load %arg5[%get3A, %get3A_212] {strides = array<i32>} : memref<128x16xi32, #tpu.memory_space<vmem>>, vector<1x16xi32>,
        %get3A_214 = vector.shape_cast %get3A_213 : vector<1x16xi32> to vector<16xi32>
        %add3A_215 = arith.addi %scan3A_211, %get3A_214 : vector<16xi32>
        scf.yield %add3A_215 : vector<16xi32>
      }
      %scan3A_92 = arith.constant 128 : i32
      "tpu.region"() ({
        %run_scoped3A = tpu.sem_alloc : memref<!tpu.dma_semaphore, #tpu.memory_space<semaphore_mem>>
        %dma_start3A = arith.constant 1920 : i32
        %dma_start3A_210 = arith.constant 0 : i32
        %dma_start3A_211 = tpu.memref_slice %arg2[%dma_start3A, %dma_start3A_210] : memref<2048x16xi32, #tpu.memory_space<hbm>> -> memref<128x16xi32, #tpu.memory_space<hbm>>
        %dma_start3A_212 = arith.constant 1920 : i32
        %dma_start3A_213 = arith.constant 0 : i32
        %dma_start3A_214 = tpu.memref_slice %arg2[%dma_start3A_212, %dma_start3A_213] : memref<2048x16xi32, #tpu.memory_space<hbm>> -> memref<128x16xi32, #tpu.memory_space<hbm>>
        tpu.enqueue_dma source(%dma_start3A_214 : memref<128x16xi32, #tpu.memory_space<hbm>>) target(%arg5 : memref<128x16xi32, #tpu.memory_space<vmem>>) target_semaphore(%run_scoped3A : memref<!tpu.dma_semaphore, #tpu.memory_space<semaphore_mem>>)
        %dma_wait3A = arith.constant 1920 : i32
        %dma_wait3A_215 = arith.constant 0 : i32
        %dma_wait3A_216 = tpu.memref_slice %arg2[%dma_wait3A, %dma_wait3A_215] : memref<2048x16xi32, #tpu.memory_space<hbm>> -> memref<128x16xi32, #tpu.memory_space<hbm>>
        %dma_wait3A_217 = arith.constant 1920 : i32
        %dma_wait3A_218 = arith.constant 0 : i32
        %dma_wait3A_219 = tpu.memref_slice %arg2[%dma_wait3A_217, %dma_wait3A_218] : memref<2048x16xi32, #tpu.memory_space<hbm>> -> memref<128x16xi32, #tpu.memory_space<hbm>>
        tpu.wait_dma2 semaphore(%run_scoped3A : memref<!tpu.dma_semaphore, #tpu.memory_space<semaphore_mem>>) src(%dma_wait3A_219 : memref<128x16xi32, #tpu.memory_space<hbm>>) dst(%arg5 : memref<128x16xi32, #tpu.memory_space<vmem>>)
        tpu.yield
      }) : () -> ()
      %scan3A_93 = arith.constant 0 : i32
      %scan3A_94 = arith.constant 128 : i32
      %scan3A_95 = arith.addi %scan3A_93, %scan3A_94 : i32
      %scan3A_96 = arith.constant 1 : i32
      %scan3A_97 = scf.for %scan3A_210 = %scan3A_93 to %scan3A_95 step %scan3A_96 iter_args(%scan3A_211 = %scan3A_91) -> (vector<16xi32>)  : i32 {
        %get3A = arith.index_cast %scan3A_210 : i32 to index
        %get3A_212 = arith.constant 0 : index
        %get3A_213 = tpu.vector_load %arg5[%get3A, %get3A_212] {strides = array<i32>} : memref<128x16xi32, #tpu.memory_space<vmem>>, vector<1x16xi32>,
        %get3A_214 = vector.shape_cast %get3A_213 : vector<1x16xi32> to vector<16xi32>
        %add3A_215 = arith.addi %scan3A_211, %get3A_214 : vector<16xi32>
        scf.yield %add3A_215 : vector<16xi32>
      }
      %scan3A_98 = arith.constant 128 : i32
      %iota3A = tpu.iota {dimensions = array<i32: 0>} : vector<16xi32>
      %mul3A_99 = arith.constant 16 : i32
      %mul3A_100 = vector.broadcast %mul3A_99 : i32 to vector<16xi32>
      %mul3A_101 = arith.muli %scan3A_97, %mul3A_100 : vector<16xi32>
      %add3A_102 = arith.constant 15 : i32
      %add3A_103 = vector.broadcast %add3A_102 : i32 to vector<16xi32>
      %add3A_104 = arith.addi %mul3A_101, %add3A_103 : vector<16xi32>
      %sub3A = arith.subi %add3A_104, %iota3A : vector<16xi32>
      %broadcast_in_dim3A_105 = arith.constant 0 : i32
      %broadcast_in_dim3A_106 = vector.broadcast %broadcast_in_dim3A_105 : i32 to vector<16xi32>
      %broadcast_in_dim3A_107 = arith.constant 1 : i32
      %broadcast_in_dim3A_108 = vector.broadcast %broadcast_in_dim3A_107 : i32 to vector<16xi32>
      %broadcast_in_dim3A_109 = arith.constant 0 : i32
      %broadcast_in_dim3A_110 = vector.broadcast %broadcast_in_dim3A_109 : i32 to vector<16xi32>
      %slice3A = vector.extract_strided_slice %sub3A {offsets = [0], sizes = [1], strides = [1]} : vector<16xi32> to vector<1xi32>
      %squeeze3A = vector.extract %slice3A[0] : i32 from vector<1xi32>
      %gt3A = vector.broadcast %squeeze3A : i32 to vector<16xi32>
      %gt3A_111 = arith.cmpi sgt, %gt3A, %sub3A : vector<16xi32>
      %select_n3A = arith.select %gt3A_111, %broadcast_in_dim3A_108, %broadcast_in_dim3A_110 : vector<16xi1>, vector<16xi32>
      %add3A_112 = arith.addi %broadcast_in_dim3A_106, %select_n3A : vector<16xi32>
      %slice3A_113 = vector.extract_strided_slice %sub3A {offsets = [1], sizes = [1], strides = [1]} : vector<16xi32> to vector<1xi32>
      %squeeze3A_114 = vector.extract %slice3A_113[0] : i32 from vector<1xi32>
      %gt3A_115 = vector.broadcast %squeeze3A_114 : i32 to vector<16xi32>
      %gt3A_116 = arith.cmpi sgt, %gt3A_115, %sub3A : vector<16xi32>
      %select_n3A_117 = arith.select %gt3A_116, %broadcast_in_dim3A_108, %broadcast_in_dim3A_110 : vector<16xi1>, vector<16xi32>
      %add3A_118 = arith.addi %add3A_112, %select_n3A_117 : vector<16xi32>
      %slice3A_119 = vector.extract_strided_slice %sub3A {offsets = [2], sizes = [1], strides = [1]} : vector<16xi32> to vector<1xi32>
      %squeeze3A_120 = vector.extract %slice3A_119[0] : i32 from vector<1xi32>
      %gt3A_121 = vector.broadcast %squeeze3A_120 : i32 to vector<16xi32>
      %gt3A_122 = arith.cmpi sgt, %gt3A_121, %sub3A : vector<16xi32>
      %select_n3A_123 = arith.select %gt3A_122, %broadcast_in_dim3A_108, %broadcast_in_dim3A_110 : vector<16xi1>, vector<16xi32>
      %add3A_124 = arith.addi %add3A_118, %select_n3A_123 : vector<16xi32>
      %slice3A_125 = vector.extract_strided_slice %sub3A {offsets = [3], sizes = [1], strides = [1]} : vector<16xi32> to vector<1xi32>
      %squeeze3A_126 = vector.extract %slice3A_125[0] : i32 from vector<1xi32>
      %gt3A_127 = vector.broadcast %squeeze3A_126 : i32 to vector<16xi32>
      %gt3A_128 = arith.cmpi sgt, %gt3A_127, %sub3A : vector<16xi32>
      %select_n3A_129 = arith.select %gt3A_128, %broadcast_in_dim3A_108, %broadcast_in_dim3A_110 : vector<16xi1>, vector<16xi32>
      %add3A_130 = arith.addi %add3A_124, %select_n3A_129 : vector<16xi32>
      %slice3A_131 = vector.extract_strided_slice %sub3A {offsets = [4], sizes = [1], strides = [1]} : vector<16xi32> to vector<1xi32>
      %squeeze3A_132 = vector.extract %slice3A_131[0] : i32 from vector<1xi32>
      %gt3A_133 = vector.broadcast %squeeze3A_132 : i32 to vector<16xi32>
      %gt3A_134 = arith.cmpi sgt, %gt3A_133, %sub3A : vector<16xi32>
      %select_n3A_135 = arith.select %gt3A_134, %broadcast_in_dim3A_108, %broadcast_in_dim3A_110 : vector<16xi1>, vector<16xi32>
      %add3A_136 = arith.addi %add3A_130, %select_n3A_135 : vector<16xi32>
      %slice3A_137 = vector.extract_strided_slice %sub3A {offsets = [5], sizes = [1], strides = [1]} : vector<16xi32> to vector<1xi32>
      %squeeze3A_138 = vector.extract %slice3A_137[0] : i32 from vector<1xi32>
      %gt3A_139 = vector.broadcast %squeeze3A_138 : i32 to vector<16xi32>
      %gt3A_140 = arith.cmpi sgt, %gt3A_139, %sub3A : vector<16xi32>
      %select_n3A_141 = arith.select %gt3A_140, %broadcast_in_dim3A_108, %broadcast_in_dim3A_110 : vector<16xi1>, vector<16xi32>
      %add3A_142 = arith.addi %add3A_136, %select_n3A_141 : vector<16xi32>
      %slice3A_143 = vector.extract_strided_slice %sub3A {offsets = [6], sizes = [1], strides = [1]} : vector<16xi32> to vector<1xi32>
      %squeeze3A_144 = vector.extract %slice3A_143[0] : i32 from vector<1xi32>
      %gt3A_145 = vector.broadcast %squeeze3A_144 : i32 to vector<16xi32>
      %gt3A_146 = arith.cmpi sgt, %gt3A_145, %sub3A : vector<16xi32>
      %select_n3A_147 = arith.select %gt3A_146, %broadcast_in_dim3A_108, %broadcast_in_dim3A_110 : vector<16xi1>, vector<16xi32>
      %add3A_148 = arith.addi %add3A_142, %select_n3A_147 : vector<16xi32>
      %slice3A_149 = vector.extract_strided_slice %sub3A {offsets = [7], sizes = [1], strides = [1]} : vector<16xi32> to vector<1xi32>
      %squeeze3A_150 = vector.extract %slice3A_149[0] : i32 from vector<1xi32>
      %gt3A_151 = vector.broadcast %squeeze3A_150 : i32 to vector<16xi32>
      %gt3A_152 = arith.cmpi sgt, %gt3A_151, %sub3A : vector<16xi32>
      %select_n3A_153 = arith.select %gt3A_152, %broadcast_in_dim3A_108, %broadcast_in_dim3A_110 : vector<16xi1>, vector<16xi32>
      %add3A_154 = arith.addi %add3A_148, %select_n3A_153 : vector<16xi32>
      %slice3A_155 = vector.extract_strided_slice %sub3A {offsets = [8], sizes = [1], strides = [1]} : vector<16xi32> to vector<1xi32>
      %squeeze3A_156 = vector.extract %slice3A_155[0] : i32 from vector<1xi32>
      %gt3A_157 = vector.broadcast %squeeze3A_156 : i32 to vector<16xi32>
      %gt3A_158 = arith.cmpi sgt, %gt3A_157, %sub3A : vector<16xi32>
      %select_n3A_159 = arith.select %gt3A_158, %broadcast_in_dim3A_108, %broadcast_in_dim3A_110 : vector<16xi1>, vector<16xi32>
      %add3A_160 = arith.addi %add3A_154, %select_n3A_159 : vector<16xi32>
      %slice3A_161 = vector.extract_strided_slice %sub3A {offsets = [9], sizes = [1], strides = [1]} : vector<16xi32> to vector<1xi32>
      %squeeze3A_162 = vector.extract %slice3A_161[0] : i32 from vector<1xi32>
      %gt3A_163 = vector.broadcast %squeeze3A_162 : i32 to vector<16xi32>
      %gt3A_164 = arith.cmpi sgt, %gt3A_163, %sub3A : vector<16xi32>
      %select_n3A_165 = arith.select %gt3A_164, %broadcast_in_dim3A_108, %broadcast_in_dim3A_110 : vector<16xi1>, vector<16xi32>
      %add3A_166 = arith.addi %add3A_160, %select_n3A_165 : vector<16xi32>
      %slice3A_167 = vector.extract_strided_slice %sub3A {offsets = [10], sizes = [1], strides = [1]} : vector<16xi32> to vector<1xi32>
      %squeeze3A_168 = vector.extract %slice3A_167[0] : i32 from vector<1xi32>
      %gt3A_169 = vector.broadcast %squeeze3A_168 : i32 to vector<16xi32>
      %gt3A_170 = arith.cmpi sgt, %gt3A_169, %sub3A : vector<16xi32>
      %select_n3A_171 = arith.select %gt3A_170, %broadcast_in_dim3A_108, %broadcast_in_dim3A_110 : vector<16xi1>, vector<16xi32>
      %add3A_172 = arith.addi %add3A_166, %select_n3A_171 : vector<16xi32>
      %slice3A_173 = vector.extract_strided_slice %sub3A {offsets = [11], sizes = [1], strides = [1]} : vector<16xi32> to vector<1xi32>
      %squeeze3A_174 = vector.extract %slice3A_173[0] : i32 from vector<1xi32>
      %gt3A_175 = vector.broadcast %squeeze3A_174 : i32 to vector<16xi32>
      %gt3A_176 = arith.cmpi sgt, %gt3A_175, %sub3A : vector<16xi32>
      %select_n3A_177 = arith.select %gt3A_176, %broadcast_in_dim3A_108, %broadcast_in_dim3A_110 : vector<16xi1>, vector<16xi32>
      %add3A_178 = arith.addi %add3A_172, %select_n3A_177 : vector<16xi32>
      %slice3A_179 = vector.extract_strided_slice %sub3A {offsets = [12], sizes = [1], strides = [1]} : vector<16xi32> to vector<1xi32>
      %squeeze3A_180 = vector.extract %slice3A_179[0] : i32 from vector<1xi32>
      %gt3A_181 = vector.broadcast %squeeze3A_180 : i32 to vector<16xi32>
      %gt3A_182 = arith.cmpi sgt, %gt3A_181, %sub3A : vector<16xi32>
      %select_n3A_183 = arith.select %gt3A_182, %broadcast_in_dim3A_108, %broadcast_in_dim3A_110 : vector<16xi1>, vector<16xi32>
      %add3A_184 = arith.addi %add3A_178, %select_n3A_183 : vector<16xi32>
      %slice3A_185 = vector.extract_strided_slice %sub3A {offsets = [13], sizes = [1], strides = [1]} : vector<16xi32> to vector<1xi32>
      %squeeze3A_186 = vector.extract %slice3A_185[0] : i32 from vector<1xi32>
      %gt3A_187 = vector.broadcast %squeeze3A_186 : i32 to vector<16xi32>
      %gt3A_188 = arith.cmpi sgt, %gt3A_187, %sub3A : vector<16xi32>
      %select_n3A_189 = arith.select %gt3A_188, %broadcast_in_dim3A_108, %broadcast_in_dim3A_110 : vector<16xi1>, vector<16xi32>
      %add3A_190 = arith.addi %add3A_184, %select_n3A_189 : vector<16xi32>
      %slice3A_191 = vector.extract_strided_slice %sub3A {offsets = [14], sizes = [1], strides = [1]} : vector<16xi32> to vector<1xi32>
      %squeeze3A_192 = vector.extract %slice3A_191[0] : i32 from vector<1xi32>
      %gt3A_193 = vector.broadcast %squeeze3A_192 : i32 to vector<16xi32>
      %gt3A_194 = arith.cmpi sgt, %gt3A_193, %sub3A : vector<16xi32>
      %select_n3A_195 = arith.select %gt3A_194, %broadcast_in_dim3A_108, %broadcast_in_dim3A_110 : vector<16xi1>, vector<16xi32>
      %add3A_196 = arith.addi %add3A_190, %select_n3A_195 : vector<16xi32>
      %slice3A_197 = vector.extract_strided_slice %sub3A {offsets = [15], sizes = [1], strides = [1]} : vector<16xi32> to vector<1xi32>
      %squeeze3A_198 = vector.extract %slice3A_197[0] : i32 from vector<1xi32>
      %gt3A_199 = vector.broadcast %squeeze3A_198 : i32 to vector<16xi32>
      %gt3A_200 = arith.cmpi sgt, %gt3A_199, %sub3A : vector<16xi32>
      %select_n3A_201 = arith.select %gt3A_200, %broadcast_in_dim3A_108, %broadcast_in_dim3A_110 : vector<16xi1>, vector<16xi32>
      %add3A_202 = arith.addi %add3A_196, %select_n3A_201 : vector<16xi32>
      %swap3A = arith.constant 0 : index
      %swap3A_203 = tpu.vector_load %arg6[%swap3A] {strides = array<i32>} : memref<16xi32, #tpu.memory_space<vmem>>, vector<16xi32>,
      %swap3A_204 = vector.shape_cast %swap3A_203 : vector<16xi32> to vector<16xi32>
      %swap3A_205 = vector.shape_cast %add3A_202 : vector<16xi32> to vector<16xi32>
      tpu.vector_store %arg6[%swap3A], %swap3A_205 {strides = array<i32>} : memref<16xi32, #tpu.memory_space<vmem>>, vector<16xi32>,
      %swap3A_206 = arith.constant 0 : index
      %swap3A_207 = tpu.vector_load %arg7[%swap3A_206] {strides = array<i32>} : memref<16xi32, #tpu.memory_space<vmem>>, vector<16xi32>,
      %swap3A_208 = vector.shape_cast %swap3A_207 : vector<16xi32> to vector<16xi32>
      %swap3A_209 = vector.shape_cast %scan3A_97 : vector<16xi32> to vector<16xi32>
      tpu.vector_store %arg7[%swap3A_206], %swap3A_209 {strides = array<i32>} : memref<16xi32, #tpu.memory_space<vmem>>, vector<16xi32>,
      "tpu.region"() ({
        %run_scoped3A = tpu.sem_alloc : memref<!tpu.dma_semaphore, #tpu.memory_space<semaphore_mem>>
        tpu.enqueue_dma source(%arg6 : memref<16xi32, #tpu.memory_space<vmem>>) target(%arg3 : memref<16xi32, #tpu.memory_space<hbm>>) target_semaphore(%run_scoped3A : memref<!tpu.dma_semaphore, #tpu.memory_space<semaphore_mem>>)
        tpu.wait_dma2 semaphore(%run_scoped3A : memref<!tpu.dma_semaphore, #tpu.memory_space<semaphore_mem>>) src(%arg6 : memref<16xi32, #tpu.memory_space<vmem>>) dst(%arg3 : memref<16xi32, #tpu.memory_space<hbm>>)
        tpu.yield
      }) : () -> ()
      "tpu.region"() ({
        %run_scoped3A = tpu.sem_alloc : memref<!tpu.dma_semaphore, #tpu.memory_space<semaphore_mem>>
        tpu.enqueue_dma source(%arg7 : memref<16xi32, #tpu.memory_space<vmem>>) target(%arg4 : memref<16xi32, #tpu.memory_space<hbm>>) target_semaphore(%run_scoped3A : memref<!tpu.dma_semaphore, #tpu.memory_space<semaphore_mem>>)
        tpu.wait_dma2 semaphore(%run_scoped3A : memref<!tpu.dma_semaphore, #tpu.memory_space<semaphore_mem>>) src(%arg7 : memref<16xi32, #tpu.memory_space<vmem>>) dst(%arg4 : memref<16xi32, #tpu.memory_space<hbm>>)
        tpu.yield
      }) : () -> ()
    } else {
    }
    return
  }
}

module attributes {stable_mosaic.version = 14 : i64} {
  func.func @_lstm_body(%arg0: i32, %arg1: memref<16x64x512xf32, #tpu.memory_space<vmem>>, %arg2: memref<16x1xf32, #tpu.memory_space<vmem>>, %arg3: memref<1x16xi32, #tpu.memory_space<vmem>>, %arg4: memref<2048x512xf32, #tpu.memory_space<vmem>>, %arg5: memref<2048x512xf32, #tpu.memory_space<vmem>>, %arg6: memref<1x2048xf32, #tpu.memory_space<vmem>>, %arg7: memref<1x2048xf32, #tpu.memory_space<vmem>>, %arg8: memref<16x64x512xf32, #tpu.memory_space<vmem>>, %arg9: memref<16x512xf32, #tpu.memory_space<vmem>>, %arg10: memref<16x512xf32, #tpu.memory_space<vmem>>, %arg11: memref<16x512xf32, #tpu.memory_space<vmem>>, %arg12: memref<16x512xf32, #tpu.memory_space<vmem>>, %arg13: memref<64x16x2048xf32, #tpu.memory_space<vmem>>, %arg14: memref<16x64x512xf32, #tpu.memory_space<vmem>>) attributes {dimension_semantics = [#tpu.dimension_semantics<arbitrary>], iteration_bounds = array<i64: 32>, scalar_prefetch = 0 : i64, scratch_operands = 4 : i64, tpu.core_type = #tpu.core_type<tc>, window_params = [{transform_indices = @transform_0, window_bounds = array<i64: 16, 64, 512>}, {pipeline_mode = #tpu.pipeline_mode<synchronous>, transform_indices = @transform_1, window_bounds = array<i64: 16, 1>}, {pipeline_mode = #tpu.pipeline_mode<synchronous>, transform_indices = @transform_2, window_bounds = array<i64: 1, 16>}, {pipeline_mode = #tpu.pipeline_mode<synchronous>, transform_indices = @transform_3, window_bounds = array<i64: 2048, 512>}, {pipeline_mode = #tpu.pipeline_mode<synchronous>, transform_indices = @transform_4, window_bounds = array<i64: 2048, 512>}, {pipeline_mode = #tpu.pipeline_mode<synchronous>, transform_indices = @transform_5, window_bounds = array<i64: 1, 2048>}, {pipeline_mode = #tpu.pipeline_mode<synchronous>, transform_indices = @transform_6, window_bounds = array<i64: 1, 2048>}, {transform_indices = @transform_7, window_bounds = array<i64: 16, 64, 512>}, {pipeline_mode = #tpu.pipeline_mode<synchronous>, transform_indices = @transform_8, window_bounds = array<i64: 16, 512>}, {pipeline_mode = #tpu.pipeline_mode<synchronous>, transform_indices = @transform_9, window_bounds = array<i64: 16, 512>}]} {
    %eq3A = arith.constant 0 : i32
    %eq3A_0 = arith.cmpi eq, %arg0, %eq3A : i32
    %convert_element_type3A = arith.extui %eq3A_0 : i1 to i32
    %cond3A = arith.constant 0 : i32
    %cond3A_1 = arith.cmpi ne, %convert_element_type3A, %cond3A : i32
    scf.if %cond3A_1 {
      %broadcast_in_dim3A = arith.constant 0.000000e+00 : f32
      %broadcast_in_dim3A_70 = vector.broadcast %broadcast_in_dim3A : f32 to vector<16x512xf32>
      %swap3A_71 = arith.constant 0 : index
      %swap3A_72 = arith.constant 0 : index
      %swap3A_73 = vector.load %arg11[%swap3A_71, %swap3A_72] : memref<16x512xf32, #tpu.memory_space<vmem>>, vector<16x512xf32>
      tpu.vector_store %arg11[%swap3A_71, %swap3A_72], %broadcast_in_dim3A_70 {strides = array<i32>} : memref<16x512xf32, #tpu.memory_space<vmem>>, vector<16x512xf32>,
      %broadcast_in_dim3A_74 = arith.constant 0.000000e+00 : f32
      %broadcast_in_dim3A_75 = vector.broadcast %broadcast_in_dim3A_74 : f32 to vector<16x512xf32>
      %swap3A_76 = arith.constant 0 : index
      %swap3A_77 = arith.constant 0 : index
      %swap3A_78 = vector.load %arg12[%swap3A_76, %swap3A_77] : memref<16x512xf32, #tpu.memory_space<vmem>>, vector<16x512xf32>
      tpu.vector_store %arg12[%swap3A_76, %swap3A_77], %broadcast_in_dim3A_75 {strides = array<i32>} : memref<16x512xf32, #tpu.memory_space<vmem>>, vector<16x512xf32>,
    } else {
    }
    %get3A = arith.constant 0 : index
    %get3A_2 = arith.constant 0 : index
    %get3A_3 = arith.constant 0 : index
    %get3A_4 = vector.load %arg1[%get3A, %get3A_2, %get3A_3] : memref<16x64x512xf32, #tpu.memory_space<vmem>>, vector<16x64x512xf32>
    %transpose3A = tpu.transpose %get3A_4, [1, 0, 2] : vector<16x64x512xf32> -> vector<64x16x512xf32>
    %reshape3A = vector.shape_cast %transpose3A : vector<64x16x512xf32> to vector<1024x512xf32>
    %get3A_5 = arith.constant 0 : index
    %get3A_6 = arith.constant 0 : index
    %get3A_7 = vector.load %arg6[%get3A_5, %get3A_6] : memref<1x2048xf32, #tpu.memory_space<vmem>>, vector<1x2048xf32>
    %get3A_8 = arith.constant 0 : index
    %get3A_9 = arith.constant 0 : index
    %get3A_10 = vector.load %arg7[%get3A_8, %get3A_9] : memref<1x2048xf32, #tpu.memory_space<vmem>>, vector<1x2048xf32>
    %add3A = arith.addf %get3A_7, %get3A_10 : vector<1x2048xf32>
    %get3A_11 = arith.constant 0 : index
    %get3A_12 = arith.constant 0 : index
    %get3A_13 = vector.load %arg4[%get3A_11, %get3A_12] : memref<2048x512xf32, #tpu.memory_space<vmem>>, vector<2048x512xf32>
    %dot_general3A = arith.constant dense<0.000000e+00> : vector<1024x2048xf32>
    %dot_general3A_14 = tpu.matmul %reshape3A, %get3A_13, %dot_general3A {dimension_numbers = #tpu.dot_dimension_numbers<[1], [1], [0], [0], [0, 0, 1, 0], [], []>, transpose_lhs_hint = false} : vector<1024x512xf32>, vector<2048x512xf32>, vector<1024x2048xf32> -> vector<1024x2048xf32>
    %add3A_15 = vector.broadcast %add3A : vector<1x2048xf32> to vector<1024x2048xf32>
    %add3A_16 = arith.addf %dot_general3A_14, %add3A_15 : vector<1024x2048xf32>
    %reshape3A_17 = vector.shape_cast %add3A_16 : vector<1024x2048xf32> to vector<64x16x2048xf32>
    %swap3A = arith.constant 0 : index
    %swap3A_18 = arith.constant 0 : index
    %swap3A_19 = arith.constant 0 : index
    %swap3A_20 = vector.load %arg13[%swap3A, %swap3A_18, %swap3A_19] : memref<64x16x2048xf32, #tpu.memory_space<vmem>>, vector<64x16x2048xf32>
    tpu.vector_store %arg13[%swap3A, %swap3A_18, %swap3A_19], %reshape3A_17 {strides = array<i32>} : memref<64x16x2048xf32, #tpu.memory_space<vmem>>, vector<64x16x2048xf32>,
    %get3A_21 = arith.constant 0 : index
    %get3A_22 = arith.constant 0 : index
    %get3A_23 = vector.load %arg2[%get3A_21, %get3A_22] : memref<16x1xf32, #tpu.memory_space<vmem>>, vector<16x1xf32>
    %get3A_24 = arith.constant 0 : index
    %get3A_25 = arith.constant 0 : index
    %get3A_26 = vector.load %arg5[%get3A_24, %get3A_25] : memref<2048x512xf32, #tpu.memory_space<vmem>>, vector<2048x512xf32>
    %mul3A = arith.constant 64 : i32
    %mul3A_27 = arith.muli %arg0, %mul3A : i32
    %convert_element_type3A_28 = arith.sitofp %mul3A_27 : i32 to f32
    %get3A_29 = arith.constant 0 : index
    %get3A_30 = arith.constant 0 : index
    %get3A_31 = vector.load %arg11[%get3A_29, %get3A_30] : memref<16x512xf32, #tpu.memory_space<vmem>>, vector<16x512xf32>
    %get3A_32 = arith.constant 0 : index
    %get3A_33 = arith.constant 0 : index
    %get3A_34 = vector.load %arg12[%get3A_32, %get3A_33] : memref<16x512xf32, #tpu.memory_space<vmem>>, vector<16x512xf32>
    %scan3A = arith.constant 0 : i32
    %scan3A_35 = arith.constant 64 : i32
    %scan3A_36 = arith.addi %scan3A, %scan3A_35 : i32
    %scan3A_37 = arith.constant 4 : i32
    %scan3A_38:2 = scf.for %scan3A_70 = %scan3A to %scan3A_36 step %scan3A_37 iter_args(%scan3A_71 = %get3A_31, %scan3A_72 = %get3A_34) -> (vector<16x512xf32>, vector<16x512xf32>)  : i32 {
      %get3A_73 = arith.index_cast %scan3A_70 : i32 to index
      %get3A_74 = arith.constant 0 : index
      %get3A_75 = arith.constant 0 : index
      %get3A_76 = vector.load %arg13[%get3A_73, %get3A_74, %get3A_75] : memref<64x16x2048xf32, #tpu.memory_space<vmem>>, vector<1x16x2048xf32>
      %get3A_77 = vector.shape_cast %get3A_76 : vector<1x16x2048xf32> to vector<16x2048xf32>
      %dot_general3A_78 = arith.constant dense<0.000000e+00> : vector<16x2048xf32>
      %dot_general3A_79 = tpu.matmul %scan3A_71, %get3A_26, %dot_general3A_78 {dimension_numbers = #tpu.dot_dimension_numbers<[1], [1], [0], [0], [0, 0, 1, 0], [], []>, transpose_lhs_hint = false} : vector<16x512xf32>, vector<2048x512xf32>, vector<16x2048xf32> -> vector<16x2048xf32>
      %add3A_80 = arith.addf %get3A_77, %dot_general3A_79 : vector<16x2048xf32>
      %slice3A = vector.extract_strided_slice %add3A_80 {offsets = [0, 0], sizes = [16, 512], strides = [1, 1]} : vector<16x2048xf32> to vector<16x512xf32>
      %logistic3A = arith.negf %slice3A : vector<16x512xf32>
      %logistic3A_81 = math.exp %logistic3A : vector<16x512xf32>
      %logistic3A_82 = arith.constant 1.000000e+00 : f32
      %logistic3A_83 = vector.broadcast %logistic3A_82 : f32 to vector<16x512xf32>
      %logistic3A_84 = arith.addf %logistic3A_83, %logistic3A_81 : vector<16x512xf32>
      %logistic3A_85 = arith.divf %logistic3A_83, %logistic3A_84 : vector<16x512xf32>
      %slice3A_86 = vector.extract_strided_slice %add3A_80 {offsets = [0, 512], sizes = [16, 512], strides = [1, 1]} : vector<16x2048xf32> to vector<16x512xf32>
      %logistic3A_87 = arith.negf %slice3A_86 : vector<16x512xf32>
      %logistic3A_88 = math.exp %logistic3A_87 : vector<16x512xf32>
      %logistic3A_89 = arith.constant 1.000000e+00 : f32
      %logistic3A_90 = vector.broadcast %logistic3A_89 : f32 to vector<16x512xf32>
      %logistic3A_91 = arith.addf %logistic3A_90, %logistic3A_88 : vector<16x512xf32>
      %logistic3A_92 = arith.divf %logistic3A_90, %logistic3A_91 : vector<16x512xf32>
      %slice3A_93 = vector.extract_strided_slice %add3A_80 {offsets = [0, 1024], sizes = [16, 512], strides = [1, 1]} : vector<16x2048xf32> to vector<16x512xf32>
      %tanh3A = math.tanh %slice3A_93 : vector<16x512xf32>
      %slice3A_94 = vector.extract_strided_slice %add3A_80 {offsets = [0, 1536], sizes = [16, 512], strides = [1, 1]} : vector<16x2048xf32> to vector<16x512xf32>
      %logistic3A_95 = arith.negf %slice3A_94 : vector<16x512xf32>
      %logistic3A_96 = math.exp %logistic3A_95 : vector<16x512xf32>
      %logistic3A_97 = arith.constant 1.000000e+00 : f32
      %logistic3A_98 = vector.broadcast %logistic3A_97 : f32 to vector<16x512xf32>
      %logistic3A_99 = arith.addf %logistic3A_98, %logistic3A_96 : vector<16x512xf32>
      %logistic3A_100 = arith.divf %logistic3A_98, %logistic3A_99 : vector<16x512xf32>
      %mul3A_101 = arith.mulf %logistic3A_92, %scan3A_72 : vector<16x512xf32>
      %mul3A_102 = arith.mulf %logistic3A_85, %tanh3A : vector<16x512xf32>
      %add3A_103 = arith.addf %mul3A_101, %mul3A_102 : vector<16x512xf32>
      %tanh3A_104 = math.tanh %add3A_103 : vector<16x512xf32>
      %mul3A_105 = arith.mulf %logistic3A_100, %tanh3A_104 : vector<16x512xf32>
      %convert_element_type3A_106 = arith.sitofp %scan3A_70 : i32 to f32
      %add3A_107 = arith.addf %convert_element_type3A_28, %convert_element_type3A_106 : f32
      %gt3A = vector.broadcast %add3A_107 : f32 to vector<16x1xf32>
      %gt3A_108 = arith.cmpf ogt, %get3A_23, %gt3A : vector<16x1xf32>
      %jit3A = arith.constant 0.000000e+00 : f32
      %broadcast_in_dim3A = vector.shape_cast %gt3A_108 : vector<16x1xi1> to vector<16x1xi1>
      %broadcast_in_dim3A_109 = vector.broadcast %broadcast_in_dim3A : vector<16x1xi1> to vector<16x512xi1>
      %broadcast_in_dim3A_110 = vector.broadcast %jit3A : f32 to vector<16x512xf32>
      %select_n3A = arith.select %broadcast_in_dim3A_109, %mul3A_105, %broadcast_in_dim3A_110 : vector<16x512xi1>, vector<16x512xf32>
      %swap3A_111 = arith.constant 0 : index
      %swap3A_112 = arith.index_cast %scan3A_70 : i32 to index
      %swap3A_113 = arith.constant 0 : index
      %swap3A_114 = vector.load %arg14[%swap3A_111, %swap3A_112, %swap3A_113] : memref<16x64x512xf32, #tpu.memory_space<vmem>>, vector<16x1x512xf32>
      %swap3A_115 = vector.shape_cast %swap3A_114 : vector<16x1x512xf32> to vector<16x512xf32>
      %swap3A_116 = vector.shape_cast %select_n3A : vector<16x512xf32> to vector<16x1x512xf32>
      tpu.vector_store %arg14[%swap3A_111, %swap3A_112, %swap3A_113], %swap3A_116 {strides = array<i32>} : memref<16x64x512xf32, #tpu.memory_space<vmem>>, vector<16x1x512xf32>,
      %broadcast_in_dim3A_117 = vector.shape_cast %gt3A_108 : vector<16x1xi1> to vector<16x1xi1>
      %broadcast_in_dim3A_118 = vector.broadcast %broadcast_in_dim3A_117 : vector<16x1xi1> to vector<16x512xi1>
      %select_n3A_119 = arith.select %broadcast_in_dim3A_118, %mul3A_105, %scan3A_71 : vector<16x512xi1>, vector<16x512xf32>
      %broadcast_in_dim3A_120 = vector.shape_cast %gt3A_108 : vector<16x1xi1> to vector<16x1xi1>
      %broadcast_in_dim3A_121 = vector.broadcast %broadcast_in_dim3A_120 : vector<16x1xi1> to vector<16x512xi1>
      %select_n3A_122 = arith.select %broadcast_in_dim3A_121, %add3A_103, %scan3A_72 : vector<16x512xi1>, vector<16x512xf32>
      %scan3A_123 = arith.constant 1 : i32
      %scan3A_124 = arith.addi %scan3A_70, %scan3A_123 : i32
      %get3A_125 = arith.index_cast %scan3A_124 : i32 to index
      %get3A_126 = arith.constant 0 : index
      %get3A_127 = arith.constant 0 : index
      %get3A_128 = vector.load %arg13[%get3A_125, %get3A_126, %get3A_127] : memref<64x16x2048xf32, #tpu.memory_space<vmem>>, vector<1x16x2048xf32>
      %get3A_129 = vector.shape_cast %get3A_128 : vector<1x16x2048xf32> to vector<16x2048xf32>
      %dot_general3A_130 = arith.constant dense<0.000000e+00> : vector<16x2048xf32>
      %dot_general3A_131 = tpu.matmul %select_n3A_119, %get3A_26, %dot_general3A_130 {dimension_numbers = #tpu.dot_dimension_numbers<[1], [1], [0], [0], [0, 0, 1, 0], [], []>, transpose_lhs_hint = false} : vector<16x512xf32>, vector<2048x512xf32>, vector<16x2048xf32> -> vector<16x2048xf32>
      %add3A_132 = arith.addf %get3A_129, %dot_general3A_131 : vector<16x2048xf32>
      %slice3A_133 = vector.extract_strided_slice %add3A_132 {offsets = [0, 0], sizes = [16, 512], strides = [1, 1]} : vector<16x2048xf32> to vector<16x512xf32>
      %logistic3A_134 = arith.negf %slice3A_133 : vector<16x512xf32>
      %logistic3A_135 = math.exp %logistic3A_134 : vector<16x512xf32>
      %logistic3A_136 = arith.constant 1.000000e+00 : f32
      %logistic3A_137 = vector.broadcast %logistic3A_136 : f32 to vector<16x512xf32>
      %logistic3A_138 = arith.addf %logistic3A_137, %logistic3A_135 : vector<16x512xf32>
      %logistic3A_139 = arith.divf %logistic3A_137, %logistic3A_138 : vector<16x512xf32>
      %slice3A_140 = vector.extract_strided_slice %add3A_132 {offsets = [0, 512], sizes = [16, 512], strides = [1, 1]} : vector<16x2048xf32> to vector<16x512xf32>
      %logistic3A_141 = arith.negf %slice3A_140 : vector<16x512xf32>
      %logistic3A_142 = math.exp %logistic3A_141 : vector<16x512xf32>
      %logistic3A_143 = arith.constant 1.000000e+00 : f32
      %logistic3A_144 = vector.broadcast %logistic3A_143 : f32 to vector<16x512xf32>
      %logistic3A_145 = arith.addf %logistic3A_144, %logistic3A_142 : vector<16x512xf32>
      %logistic3A_146 = arith.divf %logistic3A_144, %logistic3A_145 : vector<16x512xf32>
      %slice3A_147 = vector.extract_strided_slice %add3A_132 {offsets = [0, 1024], sizes = [16, 512], strides = [1, 1]} : vector<16x2048xf32> to vector<16x512xf32>
      %tanh3A_148 = math.tanh %slice3A_147 : vector<16x512xf32>
      %slice3A_149 = vector.extract_strided_slice %add3A_132 {offsets = [0, 1536], sizes = [16, 512], strides = [1, 1]} : vector<16x2048xf32> to vector<16x512xf32>
      %logistic3A_150 = arith.negf %slice3A_149 : vector<16x512xf32>
      %logistic3A_151 = math.exp %logistic3A_150 : vector<16x512xf32>
      %logistic3A_152 = arith.constant 1.000000e+00 : f32
      %logistic3A_153 = vector.broadcast %logistic3A_152 : f32 to vector<16x512xf32>
      %logistic3A_154 = arith.addf %logistic3A_153, %logistic3A_151 : vector<16x512xf32>
      %logistic3A_155 = arith.divf %logistic3A_153, %logistic3A_154 : vector<16x512xf32>
      %mul3A_156 = arith.mulf %logistic3A_146, %select_n3A_122 : vector<16x512xf32>
      %mul3A_157 = arith.mulf %logistic3A_139, %tanh3A_148 : vector<16x512xf32>
      %add3A_158 = arith.addf %mul3A_156, %mul3A_157 : vector<16x512xf32>
      %tanh3A_159 = math.tanh %add3A_158 : vector<16x512xf32>
      %mul3A_160 = arith.mulf %logistic3A_155, %tanh3A_159 : vector<16x512xf32>
      %convert_element_type3A_161 = arith.sitofp %scan3A_124 : i32 to f32
      %add3A_162 = arith.addf %convert_element_type3A_28, %convert_element_type3A_161 : f32
      %gt3A_163 = vector.broadcast %add3A_162 : f32 to vector<16x1xf32>
      %gt3A_164 = arith.cmpf ogt, %get3A_23, %gt3A_163 : vector<16x1xf32>
      %jit3A_165 = arith.constant 0.000000e+00 : f32
      %broadcast_in_dim3A_166 = vector.shape_cast %gt3A_164 : vector<16x1xi1> to vector<16x1xi1>
      %broadcast_in_dim3A_167 = vector.broadcast %broadcast_in_dim3A_166 : vector<16x1xi1> to vector<16x512xi1>
      %broadcast_in_dim3A_168 = vector.broadcast %jit3A_165 : f32 to vector<16x512xf32>
      %select_n3A_169 = arith.select %broadcast_in_dim3A_167, %mul3A_160, %broadcast_in_dim3A_168 : vector<16x512xi1>, vector<16x512xf32>
      %swap3A_170 = arith.constant 0 : index
      %swap3A_171 = arith.index_cast %scan3A_124 : i32 to index
      %swap3A_172 = arith.constant 0 : index
      %swap3A_173 = vector.load %arg14[%swap3A_170, %swap3A_171, %swap3A_172] : memref<16x64x512xf32, #tpu.memory_space<vmem>>, vector<16x1x512xf32>
      %swap3A_174 = vector.shape_cast %swap3A_173 : vector<16x1x512xf32> to vector<16x512xf32>
      %swap3A_175 = vector.shape_cast %select_n3A_169 : vector<16x512xf32> to vector<16x1x512xf32>
      tpu.vector_store %arg14[%swap3A_170, %swap3A_171, %swap3A_172], %swap3A_175 {strides = array<i32>} : memref<16x64x512xf32, #tpu.memory_space<vmem>>, vector<16x1x512xf32>,
      %broadcast_in_dim3A_176 = vector.shape_cast %gt3A_164 : vector<16x1xi1> to vector<16x1xi1>
      %broadcast_in_dim3A_177 = vector.broadcast %broadcast_in_dim3A_176 : vector<16x1xi1> to vector<16x512xi1>
      %select_n3A_178 = arith.select %broadcast_in_dim3A_177, %mul3A_160, %select_n3A_119 : vector<16x512xi1>, vector<16x512xf32>
      %broadcast_in_dim3A_179 = vector.shape_cast %gt3A_164 : vector<16x1xi1> to vector<16x1xi1>
      %broadcast_in_dim3A_180 = vector.broadcast %broadcast_in_dim3A_179 : vector<16x1xi1> to vector<16x512xi1>
      %select_n3A_181 = arith.select %broadcast_in_dim3A_180, %add3A_158, %select_n3A_122 : vector<16x512xi1>, vector<16x512xf32>
      %scan3A_182 = arith.constant 2 : i32
      %scan3A_183 = arith.addi %scan3A_70, %scan3A_182 : i32
      %get3A_184 = arith.index_cast %scan3A_183 : i32 to index
      %get3A_185 = arith.constant 0 : index
      %get3A_186 = arith.constant 0 : index
      %get3A_187 = vector.load %arg13[%get3A_184, %get3A_185, %get3A_186] : memref<64x16x2048xf32, #tpu.memory_space<vmem>>, vector<1x16x2048xf32>
      %get3A_188 = vector.shape_cast %get3A_187 : vector<1x16x2048xf32> to vector<16x2048xf32>
      %dot_general3A_189 = arith.constant dense<0.000000e+00> : vector<16x2048xf32>
      %dot_general3A_190 = tpu.matmul %select_n3A_178, %get3A_26, %dot_general3A_189 {dimension_numbers = #tpu.dot_dimension_numbers<[1], [1], [0], [0], [0, 0, 1, 0], [], []>, transpose_lhs_hint = false} : vector<16x512xf32>, vector<2048x512xf32>, vector<16x2048xf32> -> vector<16x2048xf32>
      %add3A_191 = arith.addf %get3A_188, %dot_general3A_190 : vector<16x2048xf32>
      %slice3A_192 = vector.extract_strided_slice %add3A_191 {offsets = [0, 0], sizes = [16, 512], strides = [1, 1]} : vector<16x2048xf32> to vector<16x512xf32>
      %logistic3A_193 = arith.negf %slice3A_192 : vector<16x512xf32>
      %logistic3A_194 = math.exp %logistic3A_193 : vector<16x512xf32>
      %logistic3A_195 = arith.constant 1.000000e+00 : f32
      %logistic3A_196 = vector.broadcast %logistic3A_195 : f32 to vector<16x512xf32>
      %logistic3A_197 = arith.addf %logistic3A_196, %logistic3A_194 : vector<16x512xf32>
      %logistic3A_198 = arith.divf %logistic3A_196, %logistic3A_197 : vector<16x512xf32>
      %slice3A_199 = vector.extract_strided_slice %add3A_191 {offsets = [0, 512], sizes = [16, 512], strides = [1, 1]} : vector<16x2048xf32> to vector<16x512xf32>
      %logistic3A_200 = arith.negf %slice3A_199 : vector<16x512xf32>
      %logistic3A_201 = math.exp %logistic3A_200 : vector<16x512xf32>
      %logistic3A_202 = arith.constant 1.000000e+00 : f32
      %logistic3A_203 = vector.broadcast %logistic3A_202 : f32 to vector<16x512xf32>
      %logistic3A_204 = arith.addf %logistic3A_203, %logistic3A_201 : vector<16x512xf32>
      %logistic3A_205 = arith.divf %logistic3A_203, %logistic3A_204 : vector<16x512xf32>
      %slice3A_206 = vector.extract_strided_slice %add3A_191 {offsets = [0, 1024], sizes = [16, 512], strides = [1, 1]} : vector<16x2048xf32> to vector<16x512xf32>
      %tanh3A_207 = math.tanh %slice3A_206 : vector<16x512xf32>
      %slice3A_208 = vector.extract_strided_slice %add3A_191 {offsets = [0, 1536], sizes = [16, 512], strides = [1, 1]} : vector<16x2048xf32> to vector<16x512xf32>
      %logistic3A_209 = arith.negf %slice3A_208 : vector<16x512xf32>
      %logistic3A_210 = math.exp %logistic3A_209 : vector<16x512xf32>
      %logistic3A_211 = arith.constant 1.000000e+00 : f32
      %logistic3A_212 = vector.broadcast %logistic3A_211 : f32 to vector<16x512xf32>
      %logistic3A_213 = arith.addf %logistic3A_212, %logistic3A_210 : vector<16x512xf32>
      %logistic3A_214 = arith.divf %logistic3A_212, %logistic3A_213 : vector<16x512xf32>
      %mul3A_215 = arith.mulf %logistic3A_205, %select_n3A_181 : vector<16x512xf32>
      %mul3A_216 = arith.mulf %logistic3A_198, %tanh3A_207 : vector<16x512xf32>
      %add3A_217 = arith.addf %mul3A_215, %mul3A_216 : vector<16x512xf32>
      %tanh3A_218 = math.tanh %add3A_217 : vector<16x512xf32>
      %mul3A_219 = arith.mulf %logistic3A_214, %tanh3A_218 : vector<16x512xf32>
      %convert_element_type3A_220 = arith.sitofp %scan3A_183 : i32 to f32
      %add3A_221 = arith.addf %convert_element_type3A_28, %convert_element_type3A_220 : f32
      %gt3A_222 = vector.broadcast %add3A_221 : f32 to vector<16x1xf32>
      %gt3A_223 = arith.cmpf ogt, %get3A_23, %gt3A_222 : vector<16x1xf32>
      %jit3A_224 = arith.constant 0.000000e+00 : f32
      %broadcast_in_dim3A_225 = vector.shape_cast %gt3A_223 : vector<16x1xi1> to vector<16x1xi1>
      %broadcast_in_dim3A_226 = vector.broadcast %broadcast_in_dim3A_225 : vector<16x1xi1> to vector<16x512xi1>
      %broadcast_in_dim3A_227 = vector.broadcast %jit3A_224 : f32 to vector<16x512xf32>
      %select_n3A_228 = arith.select %broadcast_in_dim3A_226, %mul3A_219, %broadcast_in_dim3A_227 : vector<16x512xi1>, vector<16x512xf32>
      %swap3A_229 = arith.constant 0 : index
      %swap3A_230 = arith.index_cast %scan3A_183 : i32 to index
      %swap3A_231 = arith.constant 0 : index
      %swap3A_232 = vector.load %arg14[%swap3A_229, %swap3A_230, %swap3A_231] : memref<16x64x512xf32, #tpu.memory_space<vmem>>, vector<16x1x512xf32>
      %swap3A_233 = vector.shape_cast %swap3A_232 : vector<16x1x512xf32> to vector<16x512xf32>
      %swap3A_234 = vector.shape_cast %select_n3A_228 : vector<16x512xf32> to vector<16x1x512xf32>
      tpu.vector_store %arg14[%swap3A_229, %swap3A_230, %swap3A_231], %swap3A_234 {strides = array<i32>} : memref<16x64x512xf32, #tpu.memory_space<vmem>>, vector<16x1x512xf32>,
      %broadcast_in_dim3A_235 = vector.shape_cast %gt3A_223 : vector<16x1xi1> to vector<16x1xi1>
      %broadcast_in_dim3A_236 = vector.broadcast %broadcast_in_dim3A_235 : vector<16x1xi1> to vector<16x512xi1>
      %select_n3A_237 = arith.select %broadcast_in_dim3A_236, %mul3A_219, %select_n3A_178 : vector<16x512xi1>, vector<16x512xf32>
      %broadcast_in_dim3A_238 = vector.shape_cast %gt3A_223 : vector<16x1xi1> to vector<16x1xi1>
      %broadcast_in_dim3A_239 = vector.broadcast %broadcast_in_dim3A_238 : vector<16x1xi1> to vector<16x512xi1>
      %select_n3A_240 = arith.select %broadcast_in_dim3A_239, %add3A_217, %select_n3A_181 : vector<16x512xi1>, vector<16x512xf32>
      %scan3A_241 = arith.constant 3 : i32
      %scan3A_242 = arith.addi %scan3A_70, %scan3A_241 : i32
      %get3A_243 = arith.index_cast %scan3A_242 : i32 to index
      %get3A_244 = arith.constant 0 : index
      %get3A_245 = arith.constant 0 : index
      %get3A_246 = vector.load %arg13[%get3A_243, %get3A_244, %get3A_245] : memref<64x16x2048xf32, #tpu.memory_space<vmem>>, vector<1x16x2048xf32>
      %get3A_247 = vector.shape_cast %get3A_246 : vector<1x16x2048xf32> to vector<16x2048xf32>
      %dot_general3A_248 = arith.constant dense<0.000000e+00> : vector<16x2048xf32>
      %dot_general3A_249 = tpu.matmul %select_n3A_237, %get3A_26, %dot_general3A_248 {dimension_numbers = #tpu.dot_dimension_numbers<[1], [1], [0], [0], [0, 0, 1, 0], [], []>, transpose_lhs_hint = false} : vector<16x512xf32>, vector<2048x512xf32>, vector<16x2048xf32> -> vector<16x2048xf32>
      %add3A_250 = arith.addf %get3A_247, %dot_general3A_249 : vector<16x2048xf32>
      %slice3A_251 = vector.extract_strided_slice %add3A_250 {offsets = [0, 0], sizes = [16, 512], strides = [1, 1]} : vector<16x2048xf32> to vector<16x512xf32>
      %logistic3A_252 = arith.negf %slice3A_251 : vector<16x512xf32>
      %logistic3A_253 = math.exp %logistic3A_252 : vector<16x512xf32>
      %logistic3A_254 = arith.constant 1.000000e+00 : f32
      %logistic3A_255 = vector.broadcast %logistic3A_254 : f32 to vector<16x512xf32>
      %logistic3A_256 = arith.addf %logistic3A_255, %logistic3A_253 : vector<16x512xf32>
      %logistic3A_257 = arith.divf %logistic3A_255, %logistic3A_256 : vector<16x512xf32>
      %slice3A_258 = vector.extract_strided_slice %add3A_250 {offsets = [0, 512], sizes = [16, 512], strides = [1, 1]} : vector<16x2048xf32> to vector<16x512xf32>
      %logistic3A_259 = arith.negf %slice3A_258 : vector<16x512xf32>
      %logistic3A_260 = math.exp %logistic3A_259 : vector<16x512xf32>
      %logistic3A_261 = arith.constant 1.000000e+00 : f32
      %logistic3A_262 = vector.broadcast %logistic3A_261 : f32 to vector<16x512xf32>
      %logistic3A_263 = arith.addf %logistic3A_262, %logistic3A_260 : vector<16x512xf32>
      %logistic3A_264 = arith.divf %logistic3A_262, %logistic3A_263 : vector<16x512xf32>
      %slice3A_265 = vector.extract_strided_slice %add3A_250 {offsets = [0, 1024], sizes = [16, 512], strides = [1, 1]} : vector<16x2048xf32> to vector<16x512xf32>
      %tanh3A_266 = math.tanh %slice3A_265 : vector<16x512xf32>
      %slice3A_267 = vector.extract_strided_slice %add3A_250 {offsets = [0, 1536], sizes = [16, 512], strides = [1, 1]} : vector<16x2048xf32> to vector<16x512xf32>
      %logistic3A_268 = arith.negf %slice3A_267 : vector<16x512xf32>
      %logistic3A_269 = math.exp %logistic3A_268 : vector<16x512xf32>
      %logistic3A_270 = arith.constant 1.000000e+00 : f32
      %logistic3A_271 = vector.broadcast %logistic3A_270 : f32 to vector<16x512xf32>
      %logistic3A_272 = arith.addf %logistic3A_271, %logistic3A_269 : vector<16x512xf32>
      %logistic3A_273 = arith.divf %logistic3A_271, %logistic3A_272 : vector<16x512xf32>
      %mul3A_274 = arith.mulf %logistic3A_264, %select_n3A_240 : vector<16x512xf32>
      %mul3A_275 = arith.mulf %logistic3A_257, %tanh3A_266 : vector<16x512xf32>
      %add3A_276 = arith.addf %mul3A_274, %mul3A_275 : vector<16x512xf32>
      %tanh3A_277 = math.tanh %add3A_276 : vector<16x512xf32>
      %mul3A_278 = arith.mulf %logistic3A_273, %tanh3A_277 : vector<16x512xf32>
      %convert_element_type3A_279 = arith.sitofp %scan3A_242 : i32 to f32
      %add3A_280 = arith.addf %convert_element_type3A_28, %convert_element_type3A_279 : f32
      %gt3A_281 = vector.broadcast %add3A_280 : f32 to vector<16x1xf32>
      %gt3A_282 = arith.cmpf ogt, %get3A_23, %gt3A_281 : vector<16x1xf32>
      %jit3A_283 = arith.constant 0.000000e+00 : f32
      %broadcast_in_dim3A_284 = vector.shape_cast %gt3A_282 : vector<16x1xi1> to vector<16x1xi1>
      %broadcast_in_dim3A_285 = vector.broadcast %broadcast_in_dim3A_284 : vector<16x1xi1> to vector<16x512xi1>
      %broadcast_in_dim3A_286 = vector.broadcast %jit3A_283 : f32 to vector<16x512xf32>
      %select_n3A_287 = arith.select %broadcast_in_dim3A_285, %mul3A_278, %broadcast_in_dim3A_286 : vector<16x512xi1>, vector<16x512xf32>
      %swap3A_288 = arith.constant 0 : index
      %swap3A_289 = arith.index_cast %scan3A_242 : i32 to index
      %swap3A_290 = arith.constant 0 : index
      %swap3A_291 = vector.load %arg14[%swap3A_288, %swap3A_289, %swap3A_290] : memref<16x64x512xf32, #tpu.memory_space<vmem>>, vector<16x1x512xf32>
      %swap3A_292 = vector.shape_cast %swap3A_291 : vector<16x1x512xf32> to vector<16x512xf32>
      %swap3A_293 = vector.shape_cast %select_n3A_287 : vector<16x512xf32> to vector<16x1x512xf32>
      tpu.vector_store %arg14[%swap3A_288, %swap3A_289, %swap3A_290], %swap3A_293 {strides = array<i32>} : memref<16x64x512xf32, #tpu.memory_space<vmem>>, vector<16x1x512xf32>,
      %broadcast_in_dim3A_294 = vector.shape_cast %gt3A_282 : vector<16x1xi1> to vector<16x1xi1>
      %broadcast_in_dim3A_295 = vector.broadcast %broadcast_in_dim3A_294 : vector<16x1xi1> to vector<16x512xi1>
      %select_n3A_296 = arith.select %broadcast_in_dim3A_295, %mul3A_278, %select_n3A_237 : vector<16x512xi1>, vector<16x512xf32>
      %broadcast_in_dim3A_297 = vector.shape_cast %gt3A_282 : vector<16x1xi1> to vector<16x1xi1>
      %broadcast_in_dim3A_298 = vector.broadcast %broadcast_in_dim3A_297 : vector<16x1xi1> to vector<16x512xi1>
      %select_n3A_299 = arith.select %broadcast_in_dim3A_298, %add3A_276, %select_n3A_240 : vector<16x512xi1>, vector<16x512xf32>
      scf.yield %select_n3A_296, %select_n3A_299 : vector<16x512xf32>, vector<16x512xf32>
    }
    %scan3A_39 = arith.constant 64 : i32
    %swap3A_40 = arith.constant 0 : index
    %swap3A_41 = arith.constant 0 : index
    %swap3A_42 = vector.load %arg11[%swap3A_40, %swap3A_41] : memref<16x512xf32, #tpu.memory_space<vmem>>, vector<16x512xf32>
    tpu.vector_store %arg11[%swap3A_40, %swap3A_41], %scan3A_38#0 {strides = array<i32>} : memref<16x512xf32, #tpu.memory_space<vmem>>, vector<16x512xf32>,
    %swap3A_43 = arith.constant 0 : index
    %swap3A_44 = arith.constant 0 : index
    %swap3A_45 = vector.load %arg12[%swap3A_43, %swap3A_44] : memref<16x512xf32, #tpu.memory_space<vmem>>, vector<16x512xf32>
    tpu.vector_store %arg12[%swap3A_43, %swap3A_44], %scan3A_38#1 {strides = array<i32>} : memref<16x512xf32, #tpu.memory_space<vmem>>, vector<16x512xf32>,
    %iota3A = tpu.iota {dimensions = array<i32: 0>} : vector<16x16xi32>
    %get3A_46 = arith.constant 0 : index
    %get3A_47 = arith.constant 0 : index
    %get3A_48 = vector.load %arg3[%get3A_46, %get3A_47] : memref<1x16xi32, #tpu.memory_space<vmem>>, vector<1x16xi32>
    %eq3A_49 = vector.broadcast %get3A_48 : vector<1x16xi32> to vector<16x16xi32>
    %eq3A_50 = arith.cmpi eq, %iota3A, %eq3A_49 : vector<16x16xi32>
    %convert_element_type3A_51 = arith.extui %eq3A_50 : vector<16x16xi1> to vector<16x16xi32>
    %convert_element_type3A_52 = arith.sitofp %convert_element_type3A_51 : vector<16x16xi32> to vector<16x16xf32>
    %get3A_53 = arith.constant 0 : index
    %get3A_54 = arith.constant 0 : index
    %get3A_55 = arith.constant 0 : index
    %get3A_56 = vector.load %arg14[%get3A_53, %get3A_54, %get3A_55] : memref<16x64x512xf32, #tpu.memory_space<vmem>>, vector<16x64x512xf32>
    %reshape3A_57 = vector.shape_cast %get3A_56 : vector<16x64x512xf32> to vector<16x32768xf32>
    %dot_general3A_58 = arith.constant dense<0.000000e+00> : vector<16x32768xf32>
    %dot_general3A_59 = tpu.matmul %convert_element_type3A_52, %reshape3A_57, %dot_general3A_58 {dimension_numbers = #tpu.dot_dimension_numbers<[1], [0], [0], [1], [0, 0, 1, 1], [], []>, transpose_lhs_hint = false} : vector<16x16xf32>, vector<16x32768xf32>, vector<16x32768xf32> -> vector<16x32768xf32>
    %reshape3A_60 = vector.shape_cast %dot_general3A_59 : vector<16x32768xf32> to vector<16x64x512xf32>
    %swap3A_61 = arith.constant 0 : index
    %swap3A_62 = arith.constant 0 : index
    %swap3A_63 = arith.constant 0 : index
    %swap3A_64 = vector.load %arg8[%swap3A_61, %swap3A_62, %swap3A_63] : memref<16x64x512xf32, #tpu.memory_space<vmem>>, vector<16x64x512xf32>
    tpu.vector_store %arg8[%swap3A_61, %swap3A_62, %swap3A_63], %reshape3A_60 {strides = array<i32>} : memref<16x64x512xf32, #tpu.memory_space<vmem>>, vector<16x64x512xf32>,
    %eq3A_65 = arith.constant 31 : i32
    %eq3A_66 = arith.cmpi eq, %arg0, %eq3A_65 : i32
    %convert_element_type3A_67 = arith.extui %eq3A_66 : i1 to i32
    %cond3A_68 = arith.constant 0 : i32
    %cond3A_69 = arith.cmpi ne, %convert_element_type3A_67, %cond3A_68 : i32
    scf.if %cond3A_69 {
      %dot_general3A_70 = arith.constant dense<0.000000e+00> : vector<16x512xf32>
      %dot_general3A_71 = tpu.matmul %convert_element_type3A_52, %scan3A_38#0, %dot_general3A_70 {dimension_numbers = #tpu.dot_dimension_numbers<[1], [0], [0], [1], [0, 0, 1, 1], [], []>, transpose_lhs_hint = false} : vector<16x16xf32>, vector<16x512xf32>, vector<16x512xf32> -> vector<16x512xf32>
      %swap3A_72 = arith.constant 0 : index
      %swap3A_73 = arith.constant 0 : index
      %swap3A_74 = vector.load %arg9[%swap3A_72, %swap3A_73] : memref<16x512xf32, #tpu.memory_space<vmem>>, vector<16x512xf32>
      tpu.vector_store %arg9[%swap3A_72, %swap3A_73], %dot_general3A_71 {strides = array<i32>} : memref<16x512xf32, #tpu.memory_space<vmem>>, vector<16x512xf32>,
      %dot_general3A_75 = arith.constant dense<0.000000e+00> : vector<16x512xf32>
      %dot_general3A_76 = tpu.matmul %convert_element_type3A_52, %scan3A_38#1, %dot_general3A_75 {dimension_numbers = #tpu.dot_dimension_numbers<[1], [0], [0], [1], [0, 0, 1, 1], [], []>, transpose_lhs_hint = false} : vector<16x16xf32>, vector<16x512xf32>, vector<16x512xf32> -> vector<16x512xf32>
      %swap3A_77 = arith.constant 0 : index
      %swap3A_78 = arith.constant 0 : index
      %swap3A_79 = vector.load %arg10[%swap3A_77, %swap3A_78] : memref<16x512xf32, #tpu.memory_space<vmem>>, vector<16x512xf32>
      tpu.vector_store %arg10[%swap3A_77, %swap3A_78], %dot_general3A_76 {strides = array<i32>} : memref<16x512xf32, #tpu.memory_space<vmem>>, vector<16x512xf32>,
    } else {
    }
    return
  }
  func.func @transform_0(%arg0: i32) -> (i32, i32, i32) {
    %c0_i32 = arith.constant 0 : i32
    %c0_i32_0 = arith.constant 0 : i32
    %c0_i32_1 = arith.constant 0 : i32
    return %c0_i32, %arg0, %c0_i32_0 : i32, i32, i32
  }
  func.func @transform_1(%arg0: i32) -> (i32, i32) {
    %c0_i32 = arith.constant 0 : i32
    %c0_i32_0 = arith.constant 0 : i32
    %c0_i32_1 = arith.constant 0 : i32
    return %c0_i32, %c0_i32_0 : i32, i32
  }
  func.func @transform_2(%arg0: i32) -> (i32, i32) {
    %c0_i32 = arith.constant 0 : i32
    %c0_i32_0 = arith.constant 0 : i32
    %c0_i32_1 = arith.constant 0 : i32
    return %c0_i32, %c0_i32_0 : i32, i32
  }
  func.func @transform_3(%arg0: i32) -> (i32, i32) {
    %c0_i32 = arith.constant 0 : i32
    %c0_i32_0 = arith.constant 0 : i32
    %c0_i32_1 = arith.constant 0 : i32
    return %c0_i32, %c0_i32_0 : i32, i32
  }
  func.func @transform_4(%arg0: i32) -> (i32, i32) {
    %c0_i32 = arith.constant 0 : i32
    %c0_i32_0 = arith.constant 0 : i32
    %c0_i32_1 = arith.constant 0 : i32
    return %c0_i32, %c0_i32_0 : i32, i32
  }
  func.func @transform_5(%arg0: i32) -> (i32, i32) {
    %c0_i32 = arith.constant 0 : i32
    %c0_i32_0 = arith.constant 0 : i32
    %c0_i32_1 = arith.constant 0 : i32
    return %c0_i32, %c0_i32_0 : i32, i32
  }
  func.func @transform_6(%arg0: i32) -> (i32, i32) {
    %c0_i32 = arith.constant 0 : i32
    %c0_i32_0 = arith.constant 0 : i32
    %c0_i32_1 = arith.constant 0 : i32
    return %c0_i32, %c0_i32_0 : i32, i32
  }
  func.func @transform_7(%arg0: i32) -> (i32, i32, i32) {
    %c0_i32 = arith.constant 0 : i32
    %c0_i32_0 = arith.constant 0 : i32
    %c0_i32_1 = arith.constant 0 : i32
    return %c0_i32, %arg0, %c0_i32_0 : i32, i32, i32
  }
  func.func @transform_8(%arg0: i32) -> (i32, i32) {
    %c0_i32 = arith.constant 0 : i32
    %c0_i32_0 = arith.constant 0 : i32
    %c0_i32_1 = arith.constant 0 : i32
    return %c0_i32, %c0_i32_0 : i32, i32
  }
  func.func @transform_9(%arg0: i32) -> (i32, i32) {
    %c0_i32 = arith.constant 0 : i32
    %c0_i32_0 = arith.constant 0 : i32
    %c0_i32_1 = arith.constant 0 : i32
    return %c0_i32, %c0_i32_0 : i32, i32
  }
}

</mosaic_0001>

<sc_bundles>
// kernel: kernel.4.cloned.1.call-start
scs
__scs_entry_jumppad:
0x0: {  	(pc) =	sbr.rel $0x88, $3  }
0x1: {  	(tag) =	ssettag $0x0;
	lr =	simm.s32 $0x1  }
0x2: {  	[smem:$0x3F9B] =	sst lr;
	_ =	strace $0xD0000000  }
0x3: {  	_ = 	snop  }
0x4: {  	_ = 	snop  }
0x5: {  	_ = 	snop  }
0x6: {  	_ = 	snop  }
0x7: {  	_ = 	snop  }
__scs_overlays_trampoline_lowered:
0x8: {  	[smem:$0x3FAA] =	sst s0  }
0x9: {  	[smem:$0x3FAB] =	sst s1  }
0xa: {  	[smem:$0x3FAC] =	sst s2  }
0xb: {  	[smem:$0x3FAD] =	sst s3  }
0xc: {  	[smem:$0x3FAE] =	sst s4  }
0xd: {  	[smem:$0x3FAF] =	sst s5  }
0xe: {  	[smem:$0x3FB0] =	sst s6  }
0xf: {  	[smem:$0x3FB1] =	sst s7  }
0x10: {  	[smem:$0x3FB2] =	sst s8  }
0x11: {  	[smem:$0x3FB3] =	sst s9;
	s0 =	simm.s32 @!p0 $0x0  }
0x12: {  	s1 =	sld [smem:$0x3F99];
	s0 =	simm.s32 @p0 $0x1  }
0x13: {  	[smem:$0x3FB4] =	sst s0;
	s0 =	simm.s32 @!p1 $0x0  }
0x14: {  	s2 =	sld [smem:$0x3F98];
	s0 =	simm.s32 @p1 $0x1  }
0x15: {  	[smem:$0x3FB5] =	sst s0;
	s0 =	simm.s32 @!p2 $0x0  }
0x16: {  	s3 =	sld [smem:$0x3FDB];
	s0 =	simm.s32 @p2 $0x1  }
0x17: {  	s4 =	simm.s32 $0x1BF5;
	[smem:$0x3FB7] =	sst s0  }
0x18: {  	s0 =	sld [smem:$0x3F9A];
	_ =	swait.ge [sflag:s4], $0x0  }
0x19: {  	s7 =	sld [smem:$0x3F9B]  }
0x1a: {  	s8 =	sadd.s32 $0xFFFFE003, lr  }
0x1b: {  	s9 =	sadd.s32 $0xFFFFFEF7, lr;
	s5 =	simm.s32 $0xFFFFFFFF;
	p2 =	slt.u32 s8, $0xFFFFF086  }
0x1c: {  	p1 =	slt.u32 s9, $0xF7A;
	s5 =	simm.s32 @!p2 $0x0  }
0x1d: {  	s5 =	simm.s32 @p1 $0x1;
	p0 =	seq.s32 s7, s2  }
0x1e: {  	s7 =	smul.u32 @!p0 $0xF7A, s2;
	p2 =	seq.s32 @!p0 s5, $0x0  }
0x1f: {  	s9 =	smul.u32 $0xF7A, s1;
	s8 =	simm.s32 @!p0 $0x1BF5;
	p2 =	por !p2, p0  }
0x20: {  	[sflag:s8] =	ssyncset.s32 @!p0 $0xFFFFF086;
	s6 =	sadd.s32 @!p0 s3, s7;
	s7 =	simm.s32 @!p0 $0x108  }
0x21: {  	s3 =	sadd.s32 s3, s9;
	s6 =	sadd.s32 @!p0 $0x88, s6;
	s7 =	simm.s32 @p2 $0x1082  }
0x22: {  	[simem:s7], [sflag:s8] =	dma.local @!p0 [hbm:s6], $0xF7A  }
0x23: {  	s9 =	sor.u32 $0xD0000000, s2;
	s6 =	simm.s32 $0x108;
	_ =	swait.ge @!p0 [sflag:s8], $0x0  }
0x24: {  	s3 =	sadd.s32 $0x88, s3;
	s6 =	simm.s32 @!p1 $0x1082;
	[sflag:s4] =	ssyncset.s32 $0xFFFFF086  }
0x25: {  	[simem:s6], [sflag:s4] =	dma.local [hbm:s3], $0xF7A  }
0x26: {  	[smem:$0x3F9B] =	sst s1;
	(tag) =	ssettag s2;
	_ =	strace s9  }
0x27: {  	s1 =	sld [smem:$0x3FAB]  }
0x28: {  	s2 =	sld [smem:$0x3FAC]  }
0x29: {  	s4 =	sld [smem:$0x3FAE]  }
0x2a: {  	p0 =	seq.s32 s5, $0x0;
	s5 =	sld [smem:$0x3FAF]  }
0x2b: {  	s6 =	sld [smem:$0x3FB0]  }
0x2c: {  	s7 =	sld [smem:$0x3FB1]  }
0x2d: {  	s3 =	simm.s32 $0x108;
	s8 =	sld [smem:$0x3FB2]  }
0x2e: {  	s3 =	simm.s32 @!p0 $0x1082;
	s9 =	sld [smem:$0x3FB3]  }
0x2f: {  	lr =	sadd.s32 s0, s3;
	s0 =	sld [smem:$0x3FAA]  }
0x30: {  	s3 =	sld [smem:$0x3FAD]  }
0x31: {  	[smem:$0x3FB6] =	sst s10  }
0x32: {  	s10 =	sld [smem:$0x3FB4];
	_ =	sdelay $0x3  }
0x33: {  	p0 =	seq.s32 s10, $0x1;
	s10 =	sld [smem:$0x3FB6];
	_ =	sdelay $0x3  }
0x34: {  	[smem:$0x3FB6] =	sst s10  }
0x35: {  	s10 =	sld [smem:$0x3FB5];
	_ =	sdelay $0x3  }
0x36: {  	p1 =	seq.s32 s10, $0x1;
	s10 =	sld [smem:$0x3FB6];
	_ =	sdelay $0x3  }
0x37: {  	[smem:$0x3FB6] =	sst s10  }
0x38: {  	s10 =	sld [smem:$0x3FB7]  }
0x39: {  	_ = 	snop;
	(pc) =	sbr.ind lr, $3  }
0x3a: {  	_ = 	snop  }
0x3b: {  	_ = 	snop  }
0x3c: {  	p2 =	seq.s32 s10, $0x1;
	s10 =	sld [smem:$0x3FB6]  }
0x3d: {  	_ =	shalt  }
0x3e: {  	_ =	shalt  }
0x3f: {  	_ =	shalt  }
0x40: {  	_ =	shalt  }
0x41: {  	_ =	shalt  }
0x42: {  	_ =	shalt  }
0x43: {  	_ =	shalt  }
0x44: {  	_ =	shalt  }
0x45: {  	_ =	shalt  }
0x46: {  	_ =	shalt  }
0x47: {  	_ =	shalt  }
0x48: {  	_ =	shalt  }
0x49: {  	_ =	shalt  }
0x4a: {  	_ =	shalt  }
0x4b: {  	_ =	shalt  }
0x4c: {  	_ =	shalt  }
0x4d: {  	_ =	shalt  }
0x4e: {  	_ =	shalt  }
0x4f: {  	_ =	shalt  }
0x50: {  	_ =	shalt  }
0x51: {  	_ =	shalt  }
0x52: {  	_ =	shalt  }
0x53: {  	_ =	shalt  }
0x54: {  	_ =	shalt  }
0x55: {  	_ =	shalt  }
0x56: {  	_ =	shalt  }
0x57: {  	_ =	shalt  }
0x58: {  	_ =	shalt  }
0x59: {  	_ =	shalt  }
0x5a: {  	_ =	shalt  }
0x5b: {  	_ =	shalt  }
0x5c: {  	_ =	shalt  }
0x5d: {  	_ =	shalt  }
0x5e: {  	_ =	shalt  }
0x5f: {  	_ =	shalt  }
0x60: {  	_ =	shalt  }
0x61: {  	_ =	shalt  }
0x62: {  	_ =	shalt  }
0x63: {  	_ =	shalt  }
0x64: {  	_ =	shalt  }
0x65: {  	_ =	shalt  }
0x66: {  	_ =	shalt  }
0x67: {  	_ =	shalt  }
0x68: {  	_ =	shalt  }
0x69: {  	_ =	shalt  }
0x6a: {  	_ =	shalt  }
0x6b: {  	_ =	shalt  }
0x6c: {  	_ =	shalt  }
0x6d: {  	_ =	shalt  }
0x6e: {  	_ =	shalt  }
0x6f: {  	_ =	shalt  }
0x70: {  	_ =	shalt  }
0x71: {  	_ =	shalt  }
0x72: {  	_ =	shalt  }
0x73: {  	_ =	shalt  }
0x74: {  	_ =	shalt  }
0x75: {  	_ =	shalt  }
0x76: {  	_ =	shalt  }
0x77: {  	_ =	shalt  }
0x78: {  	_ =	shalt  }
0x79: {  	_ =	shalt  }
0x7a: {  	_ =	shalt  }
0x7b: {  	_ =	shalt  }
0x7c: {  	_ =	shalt  }
0x7d: {  	_ =	shalt  }
0x7e: {  	_ =	shalt  }
0x7f: {  	_ =	shalt  }
0x80: {  	_ =	shalt  }
0x81: {  	_ =	shalt  }
0x82: {  	_ =	shalt  }
0x83: {  	_ =	shalt  }
0x84: {  	_ =	shalt  }
0x85: {  	_ =	shalt  }
0x86: {  	_ =	shalt  }
0x87: {  	_ =	shalt  }
.Lfunc_end0:
.L_simem_size_0:
called_computation_lowered:
.L_overlay_start_0:
0x88: {  	s2 =	sld [smem:$0x3FD9]  }
0x89: {  	s3 =	sld [smem:$0x3FFE];
	_ =	sdelay $0x1  }
0x8a: {  	s1 =	srdreg.scid  }
0x8b: {  	s0 =	sand.u32 $0x1, s1  }
0x8c: {  	s15 =	sshll.u32 s0, $0xA;
	s2 =	sadd.s32 s3, s2  }
0x8d: {  	s2 =	sadd.s32 s2, s15  }
0x8e: {  	[smem:$0x3FC2] =	sst s2  }
0x8f: {  	_ = 	snop  }
0x90: {  	s2 =	sld [smem:$0x3FD0];
	_ =	sdelay $0x2  }
0x91: {  	s16 =	simm.s32 $0xA;
	s4 =	simm.s32 $0x10  }
0x92: {  	[smem:s4], [sflag:s16] =	dma.local [hbm:s2], $0x1  }
0x93: {  	_ =	swait.eq [sflag:s16], $0x1  }
0x94: {  	s17 =	sld [smem:$0x10];
	[sflag:s16] =	ssyncset.done $0x0  }
0x95: {  	s18 =	sld [smem:$0x12];
	[sflag:s16] =	ssyncadd.s32 $0xFFFFFFFF  }
0x96: {  	s19 =	sld [smem:$0x13];
	(tm) =	ssettm $0x1  }
0x97: {  	s5 =	sld [smem:$0x3FFB];
	_ =	sdelay $0x3  }
0x98: {  	_ =	strace s5  }
0x99: {  	s5 =	sld [smem:$0x3FFC];
	_ =	sdelay $0x3  }
0x9a: {  	_ =	strace s5  }
0x9b: {  	s5 =	sld [smem:$0x3FFD];
	_ =	sdelay $0x3  }
0x9c: {  	_ =	strace s5  }
0x9d: {  	_ =	strace $0x8FFFFFFF  }
0x9e: {  	s20 =	sld [smem:$0x3FDB];
	_ =	sdelay $0x1  }
0x9f: {  	s6 =	simm.s32 $_scs_section_size  }
0xa0: {  	s7 =	simm.s32 $_size__tile_overlayer_lowered;
	s8 =	simm.s32 $_tile_overlayer_lowered  }
0xa1: {  	s23 =	simm.s32 $0x1BFF;
	s22 =	sshll.u32 s8, $0x1;
	s5 =	sadd.s32 s6, s20  }
0xa2: {  	s9 =	simm.s32 $0x0;
	s21 =	sshll.u32 s7, $0x1;
	s7 =	sadd.s32 s22, s5  }
0xa3: {  	[timem:s9], [sflag:s23] =	dma.local [hbm:s7], s21  }
0xa4: {  	_ =	swait.ge [sflag:s23], s21  }
0xa5: {  	s6 =	ssub.s32 $0x0, s21;
	[sflag:s23] =	ssyncset.done $0x0  }
0xa6: {  	[sflag:s23] =	ssyncadd.s32 s6;
	_ =	sdelay $0x1  }
0xa7: {  	s24 =	simm.s32 $0x1B8B  }
0xa8: {  	_ =	swait.ge [sflag:s24], $0x1  }
0xa9: {  	[sflag:s24] =	ssyncset.done $0x0  }
0xaa: {  	s25 =	simm.s32 $0x1B8E;
	[sflag:s24] =	ssyncadd.s32 $0xFFFFFFFF  }
0xab: {  	s26 =	simm.s32 $execute0_lowered;
	[smem:$0x3FD2] =	sst s25  }
0xac: {  	s6 =	sshll.u32 s26, $0x1;
	_ =	strace $0x80000046;
	[dreg:$0x1] =	wrdreg $0xFFFFFFFF  }
0xad: {  	s28 =	simm.s32 $_size_execute0_lowered;
	s5 =	sadd.s32 s5, s6;
	[dreg:$0x0] =	wrdreg $0x0  }
0xae: {  	s6 =	sshll.u32 s28, $0x1;
	[dreg:$0x2] =	wrdreg s5  }
0xaf: {  	[dreg:$0x3] =	wrdreg s6  }
0xb0: {  	[dreg:$0x4] =	wrdreg $0xC0  }
0xb1: {  	_ =	task [dreg:s9], $0x5FFFF  }
0xb2: {  	[dreg:$0x1] =	wrdreg $0xFFFFFFFF  }
0xb3: {  	[dreg:$0x0] =	wrdreg $0x60  }
0xb4: {  	[dreg:$0x2] =	wrdreg s17  }
0xb5: {  	[dreg:$0x3] =	wrdreg s19  }
0xb6: {  	[dreg:$0x4] =	wrdreg s18  }
0xb7: {  	[dreg:$0x5] =	wrdreg $0x9  }
0xb8: {  	_ =	task.clear_ibuf [dreg:s9], $0x6FFFF;
	_ =	strace $0x90000046  }
0xb9: {  	s29 =	simm.s32 $0x9;
	_ =	strace $0x80000048  }
0xba: {  	_ =	swait.ge [sflag:s29], $0x1  }
0xbb: {  	[sflag:s29] =	ssyncadd.s32 $0xFFFFFFFF  }
0xbc: {  	_ =	strace $0x90000048  }
0xbd: {  	_ =	sfence  }
0xbe: {  	s30 =	sld [smem:$0x0];
	_ =	sdelay $0x2  }
0xbf: {  	s31 =	sshll.u32 s1, $0xD;
	s1 =	sshrl.u32 s1, $0x2  }
0xc0: {  	s3 =	sand.u32 $0x4000, s31;
	s1 =	sadd.s32 s1, s30  }
0xc1: {  	s0 =	sor.u32 s3, s0;
	s1 =	sshll.u32 s1, $0x11  }
0xc2: {  	s0 =	sor.u32 s1, s0  }
0xc3: {  	s0 =	sadd.s32 $0x8F2B, s0  }
0xc4: {  	[sflag:s0] =	ssyncadd.remote.s32 $0x1  }
0xc5: {  	_ =	sfence.sel $0xFFFF  }
0xc6: {  	[dreg:$0x0] =	wrdreg $0xFFFFFFFF;
	(pc) =	sbr.abs _section_cstart, $3  }
0xc7: {  	[dreg:$0x1] =	wrdreg $0xFFFFFFFF  }
0xc8: {  	_ =	task.clear_ibuf [dreg:s9], $0x2FFFF;
	_ =	strace $0x9FFFFFFF  }
0xc9: {  	(tm) =	ssettm $0x7FFFFFFF  }
tec
execute0_lowered:
.L_overlay_start_1:
0x0: {  	(tag) =	ssettag $0x1  }
0x1: {  	s3 =	srdreg.scid  }
0x2: {  	s16 =	sand.u32 $0x1, s3;
	s3 =	stileid.u32  }
0x3: {  	s6 =	sshll.u32 s3, $0x1;
	s7 =	ssub.s32 $0x0, s16  }
0x4: {  	p0 =	sne.s32 s6, s7  }
.Ltmp0:
0x5: {  	s1 =	rddreg [dreg:$0x0];
	(pc) =	sbr.rel @p0 .LBB2_35-.Ltmp0, $4  }
0x6: {  	s2 =	rddreg [dreg:$0x1]  }
0x7: {  	s4 =	rddreg [dreg:$0x2];
	s5 =	simm.s32 $0x0  }
0x8: {  	[smem:$0x7FF] =	sst s5  }
0x9: {  	s0 =	rddreg [dreg:$0x3];
	_ =	strace $0x80000047  }
0xa: {  	s6 =	sadd.s32 $0x800, s1;
	s7 =	sadd.s32 $0x1000, s1  }
0xb: {  	s8 =	sadd.s32 $0x1800, s1;
	s9 =	sadd.s32 $0x2000, s1;
	s10 =	sadd.s32 $0x2800, s1  }
0xc: {  	s11 =	sadd.s32 $0x3000, s1;
	s12 =	sadd.s32 $0x3800, s1;
	s13 =	sadd.s32 $0x4000, s1  }
0xd: {  	s14 =	sadd.s32 $0x4800, s1;
	s15 =	sadd.s32 $0x5000, s1;
	s20 =	ssub.s32 $0x2, s16  }
0xe: {  	s16 =	sadd.s32 $0x5800, s1;
	s17 =	sadd.s32 $0x6000, s1;
	v0 =	vlaneseq.u32;
	s18 =	sadd.s32 $0x6800, s1  }
0xf: {  	s19 =	sadd.s32 $0x7000, s1;
	s22 =	simm.s32 $0x1;
	s21 =	sshrl.u32 s20, $0x1;
	v0 =	vmul.u32 $0xFFFFFFFF, v0  }
0x10: {  	s23 =	simm.s32 $0x4000;
	s24 =	simm.s32 $0x4080;
	s21 =	ssub.s32 s20, s21  }
0x11: {  	v1 =	vimm.s32 $0x0;
	s25 =	simm.s32 $0x0;
	s20 =	sadd.s32 $0x7800, s1;
	s21 =	smax.u32 s21, $0x1;
	v0 =	vadd.s32 $0xF, v0  }
.LBB2_2:
0x12: {  	s26 =	simm.s32 $0x0  }
0x13: {  	[tilespmem:s26], [sflag:$0x1] =	stream.linear.gather [hbm4b:s1+s26], $0x4000, $0x38;
	[tilespmem:$0x4100] =	vst v63  }
0x14: {  	_ =	swait.ge [sflag:s22], $0x4000  }
0x15: {  	[sflag:s22] =	ssyncset.done $0x0  }
0x16: {  	s28 =	simm.s32 $0x0;
	[sflag:s22] =	ssyncadd.s32 $0xFFFFC000  }
0x17: {  	v2 =	vimm.s32 $0x0;
	s26 =	simm.s32 $0x200;
	v3 =	vld [tilespmem:s28+$0x0]  }
.LBB2_3:
0x18: {  	p0 =	sne.s32 s26, $0xFE00  }
.Ltmp1:
0x19: {  	_ = 	snop;
	(pc) =	sbr.rel @p0 .LBB2_3-.Ltmp1, $3  }
0x1a: {  	_ =	sdelay $0x1  }
0x1b: {  	s28 =	sshra.s32 s26, $0x2;
	s26 =	sadd.s32 $0x200, s26;
	v2 =	vadd.s32 v2, v3  }
0x1c: {  	v3 =	vld [tilespmem:s28+$0x0]  }
0x1d: {  	s26 =	simm.s32 $0x0  }
0x1e: {  	[tilespmem:s26], [sflag:$0x1] =	stream.linear.gather [hbm4b:s6+s26], $0x4000, $0x38;
	[tilespmem:$0x4100] =	vst v63  }
0x1f: {  	_ =	swait.ge [sflag:s22], $0x4000  }
0x20: {  	[sflag:s22] =	ssyncset.done $0x0  }
0x21: {  	s28 =	simm.s32 $0x0;
	[sflag:s22] =	ssyncadd.s32 $0xFFFFC000  }
0x22: {  	s26 =	simm.s32 $0x200;
	v2 =	vadd.s32 v2, v3;
	v3 =	vld [tilespmem:s28+$0x0]  }
.LBB2_5:
0x23: {  	p0 =	sne.s32 s26, $0xFE00  }
.Ltmp2:
0x24: {  	_ = 	snop;
	(pc) =	sbr.rel @p0 .LBB2_5-.Ltmp2, $3  }
0x25: {  	_ =	sdelay $0x1  }
0x26: {  	s28 =	sshra.s32 s26, $0x2;
	s26 =	sadd.s32 $0x200, s26;
	v2 =	vadd.s32 v2, v3  }
0x27: {  	v3 =	vld [tilespmem:s28+$0x0]  }
0x28: {  	s26 =	simm.s32 $0x0  }
0x29: {  	[tilespmem:s26], [sflag:$0x1] =	stream.linear.gather [hbm4b:s7+s26], $0x4000, $0x38;
	[tilespmem:$0x4100] =	vst v63  }
0x2a: {  	_ =	swait.ge [sflag:s22], $0x4000  }
0x2b: {  	[sflag:s22] =	ssyncset.done $0x0  }
0x2c: {  	s28 =	simm.s32 $0x0;
	[sflag:s22] =	ssyncadd.s32 $0xFFFFC000  }
0x2d: {  	s26 =	simm.s32 $0x200;
	v2 =	vadd.s32 v2, v3;
	v3 =	vld [tilespmem:s28+$0x0]  }
.LBB2_7:
0x2e: {  	p0 =	sne.s32 s26, $0xFE00  }
.Ltmp3:
0x2f: {  	_ = 	snop;
	(pc) =	sbr.rel @p0 .LBB2_7-.Ltmp3, $3  }
0x30: {  	_ =	sdelay $0x1  }
0x31: {  	s28 =	sshra.s32 s26, $0x2;
	s26 =	sadd.s32 $0x200, s26;
	v2 =	vadd.s32 v2, v3  }
0x32: {  	v3 =	vld [tilespmem:s28+$0x0]  }
0x33: {  	s26 =	simm.s32 $0x0  }
0x34: {  	[tilespmem:s26], [sflag:$0x1] =	stream.linear.gather [hbm4b:s8+s26], $0x4000, $0x38;
	[tilespmem:$0x4100] =	vst v63  }
0x35: {  	_ =	swait.ge [sflag:s22], $0x4000  }
0x36: {  	[sflag:s22] =	ssyncset.done $0x0  }
0x37: {  	s28 =	simm.s32 $0x0;
	[sflag:s22] =	ssyncadd.s32 $0xFFFFC000  }
0x38: {  	s26 =	simm.s32 $0x200;
	v2 =	vadd.s32 v2, v3;
	v3 =	vld [tilespmem:s28+$0x0]  }
.LBB2_9:
0x39: {  	p0 =	sne.s32 s26, $0xFE00  }
.Ltmp4:
0x3a: {  	_ = 	snop;
	(pc) =	sbr.rel @p0 .LBB2_9-.Ltmp4, $3  }
0x3b: {  	_ =	sdelay $0x1  }
0x3c: {  	s28 =	sshra.s32 s26, $0x2;
	s26 =	sadd.s32 $0x200, s26;
	v2 =	vadd.s32 v2, v3  }
0x3d: {  	v3 =	vld [tilespmem:s28+$0x0]  }
0x3e: {  	s26 =	simm.s32 $0x0  }
0x3f: {  	[tilespmem:s26], [sflag:$0x1] =	stream.linear.gather [hbm4b:s9+s26], $0x4000, $0x38;
	[tilespmem:$0x4100] =	vst v63  }
0x40: {  	_ =	swait.ge [sflag:s22], $0x4000  }
0x41: {  	[sflag:s22] =	ssyncset.done $0x0  }
0x42: {  	s28 =	simm.s32 $0x0;
	[sflag:s22] =	ssyncadd.s32 $0xFFFFC000  }
0x43: {  	s26 =	simm.s32 $0x200;
	v2 =	vadd.s32 v2, v3;
	v3 =	vld [tilespmem:s28+$0x0]  }
.LBB2_11:
0x44: {  	p0 =	sne.s32 s26, $0xFE00  }
.Ltmp5:
0x45: {  	_ = 	snop;
	(pc) =	sbr.rel @p0 .LBB2_11-.Ltmp5, $3  }
0x46: {  	_ =	sdelay $0x1  }
0x47: {  	s28 =	sshra.s32 s26, $0x2;
	s26 =	sadd.s32 $0x200, s26;
	v2 =	vadd.s32 v2, v3  }
0x48: {  	v3 =	vld [tilespmem:s28+$0x0]  }
0x49: {  	s26 =	simm.s32 $0x0  }
0x4a: {  	[tilespmem:s26], [sflag:$0x1] =	stream.linear.gather [hbm4b:s10+s26], $0x4000, $0x38;
	[tilespmem:$0x4100] =	vst v63  }
0x4b: {  	_ =	swait.ge [sflag:s22], $0x4000  }
0x4c: {  	[sflag:s22] =	ssyncset.done $0x0  }
0x4d: {  	s28 =	simm.s32 $0x0;
	[sflag:s22] =	ssyncadd.s32 $0xFFFFC000  }
0x4e: {  	s26 =	simm.s32 $0x200;
	v2 =	vadd.s32 v2, v3;
	v3 =	vld [tilespmem:s28+$0x0]  }
.LBB2_13:
0x4f: {  	p0 =	sne.s32 s26, $0xFE00  }
.Ltmp6:
0x50: {  	_ = 	snop;
	(pc) =	sbr.rel @p0 .LBB2_13-.Ltmp6, $3  }
0x51: {  	_ =	sdelay $0x1  }
0x52: {  	s28 =	sshra.s32 s26, $0x2;
	s26 =	sadd.s32 $0x200, s26;
	v2 =	vadd.s32 v2, v3  }
0x53: {  	v3 =	vld [tilespmem:s28+$0x0]  }
0x54: {  	s26 =	simm.s32 $0x0  }
0x55: {  	[tilespmem:s26], [sflag:$0x1] =	stream.linear.gather [hbm4b:s11+s26], $0x4000, $0x38;
	[tilespmem:$0x4100] =	vst v63  }
0x56: {  	_ =	swait.ge [sflag:s22], $0x4000  }
0x57: {  	[sflag:s22] =	ssyncset.done $0x0  }
0x58: {  	s28 =	simm.s32 $0x0;
	[sflag:s22] =	ssyncadd.s32 $0xFFFFC000  }
0x59: {  	s26 =	simm.s32 $0x200;
	v2 =	vadd.s32 v2, v3;
	v3 =	vld [tilespmem:s28+$0x0]  }
.LBB2_15:
0x5a: {  	p0 =	sne.s32 s26, $0xFE00  }
.Ltmp7:
0x5b: {  	_ = 	snop;
	(pc) =	sbr.rel @p0 .LBB2_15-.Ltmp7, $3  }
0x5c: {  	_ =	sdelay $0x1  }
0x5d: {  	s28 =	sshra.s32 s26, $0x2;
	s26 =	sadd.s32 $0x200, s26;
	v2 =	vadd.s32 v2, v3  }
0x5e: {  	v3 =	vld [tilespmem:s28+$0x0]  }
0x5f: {  	s26 =	simm.s32 $0x0  }
0x60: {  	[tilespmem:s26], [sflag:$0x1] =	stream.linear.gather [hbm4b:s12+s26], $0x4000, $0x38;
	[tilespmem:$0x4100] =	vst v63  }
0x61: {  	_ =	swait.ge [sflag:s22], $0x4000  }
0x62: {  	[sflag:s22] =	ssyncset.done $0x0  }
0x63: {  	s28 =	simm.s32 $0x0;
	[sflag:s22] =	ssyncadd.s32 $0xFFFFC000  }
0x64: {  	s26 =	simm.s32 $0x200;
	v2 =	vadd.s32 v2, v3;
	v3 =	vld [tilespmem:s28+$0x0]  }
.LBB2_17:
0x65: {  	p0 =	sne.s32 s26, $0xFE00  }
.Ltmp8:
0x66: {  	_ = 	snop;
	(pc) =	sbr.rel @p0 .LBB2_17-.Ltmp8, $3  }
0x67: {  	_ =	sdelay $0x1  }
0x68: {  	s28 =	sshra.s32 s26, $0x2;
	s26 =	sadd.s32 $0x200, s26;
	v2 =	vadd.s32 v2, v3  }
0x69: {  	v3 =	vld [tilespmem:s28+$0x0]  }
0x6a: {  	s26 =	simm.s32 $0x0  }
0x6b: {  	[tilespmem:s26], [sflag:$0x1] =	stream.linear.gather [hbm4b:s13+s26], $0x4000, $0x38;
	[tilespmem:$0x4100] =	vst v63  }
0x6c: {  	_ =	swait.ge [sflag:s22], $0x4000  }
0x6d: {  	[sflag:s22] =	ssyncset.done $0x0  }
0x6e: {  	s28 =	simm.s32 $0x0;
	[sflag:s22] =	ssyncadd.s32 $0xFFFFC000  }
0x6f: {  	s26 =	simm.s32 $0x200;
	v2 =	vadd.s32 v2, v3;
	v3 =	vld [tilespmem:s28+$0x0]  }
.LBB2_19:
0x70: {  	p0 =	sne.s32 s26, $0xFE00  }
.Ltmp9:
0x71: {  	_ = 	snop;
	(pc) =	sbr.rel @p0 .LBB2_19-.Ltmp9, $3  }
0x72: {  	_ =	sdelay $0x1  }
0x73: {  	s28 =	sshra.s32 s26, $0x2;
	s26 =	sadd.s32 $0x200, s26;
	v2 =	vadd.s32 v2, v3  }
0x74: {  	v3 =	vld [tilespmem:s28+$0x0]  }
0x75: {  	s26 =	simm.s32 $0x0  }
0x76: {  	[tilespmem:s26], [sflag:$0x1] =	stream.linear.gather [hbm4b:s14+s26], $0x4000, $0x38;
	[tilespmem:$0x4100] =	vst v63  }
0x77: {  	_ =	swait.ge [sflag:s22], $0x4000  }
0x78: {  	[sflag:s22] =	ssyncset.done $0x0  }
0x79: {  	s28 =	simm.s32 $0x0;
	[sflag:s22] =	ssyncadd.s32 $0xFFFFC000  }
0x7a: {  	s26 =	simm.s32 $0x200;
	v2 =	vadd.s32 v2, v3;
	v3 =	vld [tilespmem:s28+$0x0]  }
.LBB2_21:
0x7b: {  	p0 =	sne.s32 s26, $0xFE00  }
.Ltmp10:
0x7c: {  	_ = 	snop;
	(pc) =	sbr.rel @p0 .LBB2_21-.Ltmp10, $3  }
0x7d: {  	_ =	sdelay $0x1  }
0x7e: {  	s28 =	sshra.s32 s26, $0x2;
	s26 =	sadd.s32 $0x200, s26;
	v2 =	vadd.s32 v2, v3  }
0x7f: {  	v3 =	vld [tilespmem:s28+$0x0]  }
0x80: {  	s26 =	simm.s32 $0x0  }
0x81: {  	[tilespmem:s26], [sflag:$0x1] =	stream.linear.gather [hbm4b:s15+s26], $0x4000, $0x38;
	[tilespmem:$0x4100] =	vst v63  }
0x82: {  	_ =	swait.ge [sflag:s22], $0x4000  }
0x83: {  	[sflag:s22] =	ssyncset.done $0x0  }
0x84: {  	s28 =	simm.s32 $0x0;
	[sflag:s22] =	ssyncadd.s32 $0xFFFFC000  }
0x85: {  	s26 =	simm.s32 $0x200;
	v2 =	vadd.s32 v2, v3;
	v3 =	vld [tilespmem:s28+$0x0]  }
.LBB2_23:
0x86: {  	p0 =	sne.s32 s26, $0xFE00  }
.Ltmp11:
0x87: {  	_ = 	snop;
	(pc) =	sbr.rel @p0 .LBB2_23-.Ltmp11, $3  }
0x88: {  	_ =	sdelay $0x1  }
0x89: {  	s28 =	sshra.s32 s26, $0x2;
	s26 =	sadd.s32 $0x200, s26;
	v2 =	vadd.s32 v2, v3  }
0x8a: {  	v3 =	vld [tilespmem:s28+$0x0]  }
0x8b: {  	s26 =	simm.s32 $0x0  }
0x8c: {  	[tilespmem:s26], [sflag:$0x1] =	stream.linear.gather [hbm4b:s16+s26], $0x4000, $0x38;
	[tilespmem:$0x4100] =	vst v63  }
0x8d: {  	_ =	swait.ge [sflag:s22], $0x4000  }
0x8e: {  	[sflag:s22] =	ssyncset.done $0x0  }
0x8f: {  	s28 =	simm.s32 $0x0;
	[sflag:s22] =	ssyncadd.s32 $0xFFFFC000  }
0x90: {  	s26 =	simm.s32 $0x200;
	v2 =	vadd.s32 v2, v3;
	v3 =	vld [tilespmem:s28+$0x0]  }
.LBB2_25:
0x91: {  	p0 =	sne.s32 s26, $0xFE00  }
.Ltmp12:
0x92: {  	_ = 	snop;
	(pc) =	sbr.rel @p0 .LBB2_25-.Ltmp12, $3  }
0x93: {  	_ =	sdelay $0x1  }
0x94: {  	s28 =	sshra.s32 s26, $0x2;
	s26 =	sadd.s32 $0x200, s26;
	v2 =	vadd.s32 v2, v3  }
0x95: {  	v3 =	vld [tilespmem:s28+$0x0]  }
0x96: {  	s26 =	simm.s32 $0x0  }
0x97: {  	[tilespmem:s26], [sflag:$0x1] =	stream.linear.gather [hbm4b:s17+s26], $0x4000, $0x38;
	[tilespmem:$0x4100] =	vst v63  }
0x98: {  	_ =	swait.ge [sflag:s22], $0x4000  }
0x99: {  	[sflag:s22] =	ssyncset.done $0x0  }
0x9a: {  	s28 =	simm.s32 $0x0;
	[sflag:s22] =	ssyncadd.s32 $0xFFFFC000  }
0x9b: {  	s26 =	simm.s32 $0x200;
	v2 =	vadd.s32 v2, v3;
	v3 =	vld [tilespmem:s28+$0x0]  }
.LBB2_27:
0x9c: {  	p0 =	sne.s32 s26, $0xFE00  }
.Ltmp13:
0x9d: {  	_ = 	snop;
	(pc) =	sbr.rel @p0 .LBB2_27-.Ltmp13, $3  }
0x9e: {  	_ =	sdelay $0x1  }
0x9f: {  	s28 =	sshra.s32 s26, $0x2;
	s26 =	sadd.s32 $0x200, s26;
	v2 =	vadd.s32 v2, v3  }
0xa0: {  	v3 =	vld [tilespmem:s28+$0x0]  }
0xa1: {  	s26 =	simm.s32 $0x0  }
0xa2: {  	[tilespmem:s26], [sflag:$0x1] =	stream.linear.gather [hbm4b:s18+s26], $0x4000, $0x38;
	[tilespmem:$0x4100] =	vst v63  }
0xa3: {  	_ =	swait.ge [sflag:s22], $0x4000  }
0xa4: {  	[sflag:s22] =	ssyncset.done $0x0  }
0xa5: {  	s28 =	simm.s32 $0x0;
	[sflag:s22] =	ssyncadd.s32 $0xFFFFC000  }
0xa6: {  	s26 =	simm.s32 $0x200;
	v2 =	vadd.s32 v2, v3;
	v3 =	vld [tilespmem:s28+$0x0]  }
.LBB2_29:
0xa7: {  	p0 =	sne.s32 s26, $0xFE00  }
.Ltmp14:
0xa8: {  	_ = 	snop;
	(pc) =	sbr.rel @p0 .LBB2_29-.Ltmp14, $3  }
0xa9: {  	_ =	sdelay $0x1  }
0xaa: {  	s28 =	sshra.s32 s26, $0x2;
	s26 =	sadd.s32 $0x200, s26;
	v2 =	vadd.s32 v2, v3  }
0xab: {  	v3 =	vld [tilespmem:s28+$0x0]  }
0xac: {  	s26 =	simm.s32 $0x0  }
0xad: {  	[tilespmem:s26], [sflag:$0x1] =	stream.linear.gather [hbm4b:s19+s26], $0x4000, $0x38;
	[tilespmem:$0x4100] =	vst v63  }
0xae: {  	_ =	swait.ge [sflag:s22], $0x4000  }
0xaf: {  	[sflag:s22] =	ssyncset.done $0x0  }
0xb0: {  	s28 =	simm.s32 $0x0;
	[sflag:s22] =	ssyncadd.s32 $0xFFFFC000  }
0xb1: {  	s26 =	simm.s32 $0x200;
	v2 =	vadd.s32 v2, v3;
	v3 =	vld [tilespmem:s28+$0x0]  }
.LBB2_31:
0xb2: {  	p0 =	sne.s32 s26, $0xFE00  }
.Ltmp15:
0xb3: {  	_ = 	snop;
	(pc) =	sbr.rel @p0 .LBB2_31-.Ltmp15, $3  }
0xb4: {  	_ =	sdelay $0x1  }
0xb5: {  	s28 =	sshra.s32 s26, $0x2;
	s26 =	sadd.s32 $0x200, s26;
	v2 =	vadd.s32 v2, v3  }
0xb6: {  	v3 =	vld [tilespmem:s28+$0x0]  }
0xb7: {  	s26 =	simm.s32 $0x0  }
0xb8: {  	[tilespmem:s26], [sflag:$0x1] =	stream.linear.gather [hbm4b:s20+s26], $0x4000, $0x38;
	[tilespmem:$0x4100] =	vst v63  }
0xb9: {  	_ =	swait.ge [sflag:s22], $0x4000  }
0xba: {  	[sflag:s22] =	ssyncset.done $0x0  }
0xbb: {  	s28 =	simm.s32 $0x0;
	[sflag:s22] =	ssyncadd.s32 $0xFFFFC000  }
0xbc: {  	s26 =	simm.s32 $0x200;
	v2 =	vadd.s32 v2, v3;
	v3 =	vld [tilespmem:s28+$0x0]  }
.LBB2_33:
0xbd: {  	p0 =	sne.s32 s26, $0xFE00  }
.Ltmp16:
0xbe: {  	_ = 	snop;
	(pc) =	sbr.rel @p0 .LBB2_33-.Ltmp16, $3  }
0xbf: {  	_ =	sdelay $0x1  }
0xc0: {  	s28 =	sshra.s32 s26, $0x2;
	s26 =	sadd.s32 $0x200, s26;
	v2 =	vadd.s32 v2, v3  }
0xc1: {  	v3 =	vld [tilespmem:s28+$0x0]  }
0xc2: {  	_ =	sdelay $0x3  }
0xc3: {  	v2 =	vadd.s32 v2, v3  }
0xc4: {  	v3 =	vshll.u32 v2, $0x4  }
0xc5: {  	v3 =	vor.u32 v0, v3  }
0xc6: {  	v4 =	vbroadcast v3, $0x0  }
0xc7: {  	v5 =	vbroadcast v3, $0x1;
	v39 =	vbroadcast v3, $0x2  }
0xc8: {  	v7 =	vbroadcast v3, $0x3;
	v41 =	vbroadcast v3, $0x4  }
0xc9: {  	v43 =	vbroadcast v3, $0x5;
	v45 =	vbroadcast v3, $0x6  }
0xca: {  	v47 =	vbroadcast v3, $0x7;
	v49 =	vbroadcast v3, $0x8  }
0xcb: {  	v51 =	vbroadcast v3, $0x9;
	v53 =	vbroadcast v3, $0xA  }
0xcc: {  	v55 =	vbroadcast v3, $0xB;
	v57 =	vbroadcast v3, $0xC  }
0xcd: {  	v59 =	vbroadcast v3, $0xD;
	v60 =	vbroadcast v3, $0xE  }
0xce: {  	v61 =	vbroadcast v3, $0xF;
	vm0 =	vgt.s32 v4, v3;
	vm1 =	vgt.s32 v5, v3  }
0xcf: {  	vm14 =	vgt.s32 v39, v3;
	v40 =	vsel vm0, $0x1, v1;
	v6 =	vsel vm1, $0x1, v1  }
0xd0: {  	vm15 =	vgt.s32 v7, v3;
	v4 =	vsel vm14, $0x1, v1;
	v5 =	vadd.s32 v6, v40  }
0xd1: {  	vm4 =	vgt.s32 v41, v3;
	v42 =	vsel vm15, $0x1, v1;
	v4 =	vadd.s32 v4, v5  }
0xd2: {  	vm5 =	vgt.s32 v43, v3;
	v44 =	vsel vm4, $0x1, v1;
	v4 =	vadd.s32 v42, v4  }
0xd3: {  	vm6 =	vgt.s32 v45, v3;
	v46 =	vsel vm5, $0x1, v1;
	v4 =	vadd.s32 v44, v4  }
0xd4: {  	vm7 =	vgt.s32 v47, v3;
	v48 =	vsel vm6, $0x1, v1;
	v4 =	vadd.s32 v46, v4  }
0xd5: {  	vm8 =	vgt.s32 v49, v3;
	v50 =	vsel vm7, $0x1, v1;
	v4 =	vadd.s32 v48, v4  }
0xd6: {  	vm9 =	vgt.s32 v51, v3;
	v52 =	vsel vm8, $0x1, v1;
	v4 =	vadd.s32 v50, v4  }
0xd7: {  	vm10 =	vgt.s32 v53, v3;
	v54 =	vsel vm9, $0x1, v1;
	v4 =	vadd.s32 v52, v4  }
0xd8: {  	vm11 =	vgt.s32 v55, v3;
	v56 =	vsel vm10, $0x1, v1;
	v4 =	vadd.s32 v54, v4  }
0xd9: {  	vm12 =	vgt.s32 v57, v3;
	v58 =	vsel vm11, $0x1, v1;
	v4 =	vadd.s32 v56, v4  }
0xda: {  	vm13 =	vgt.s32 v59, v3;
	v6 =	vsel vm12, $0x1, v1;
	v4 =	vadd.s32 v58, v4  }
0xdb: {  	v62 =	vsel vm13, $0x1, v1;
	vm14 =	vgt.s32 v60, v3;
	v4 =	vadd.s32 v6, v4  }
0xdc: {  	vm15 =	vgt.s32 v61, v3;
	v5 =	vsel vm14, $0x1, v1;
	v3 =	vadd.s32 v62, v4  }
0xdd: {  	v63 =	vsel vm15, $0x1, v1;
	v3 =	vadd.s32 v5, v3  }
0xde: {  	[tilespmem:$0x4080] =	vst v2;
	v3 =	vadd.s32 v63, v3  }
0xdf: {  	[tilespmem:$0x4000] =	vst v3  }
0xe0: {  	[hbm4b:s2+s5] =	stream.linear.scatter [tilespmem:s23], [sflag:$0x1], $0x80, $0x38;
	[tilespmem:$0x4100] =	vst v63  }
0xe1: {  	s25 =	sadd.s32 $0x1, s25;
	_ =	swait.ge [sflag:s22], $0x80  }
0xe2: {  	p0 =	sne.s32 s25, s21;
	[sflag:s22] =	ssyncset.done $0x0  }
.Ltmp17:
0xe3: {  	[sflag:s22] =	ssyncadd.s32 $0xFFFFFF80;
	(pc) =	sbr.rel @p0 .LBB2_2-.Ltmp17, $4  }
0xe4: {  	[hbm4b:s4+s5] =	stream.linear.scatter [tilespmem:s24], [sflag:$0x1], $0x80, $0x38;
	[tilespmem:$0x4100] =	vst v63  }
0xe5: {  	_ =	swait.ge [sflag:s22], $0x80  }
0xe6: {  	[sflag:s22] =	ssyncset.done $0x0  }
0xe7: {  	[sflag:s22] =	ssyncadd.s32 $0xFFFFFF80  }
.LBB2_35:
0xe8: {  	_ =	sfence.sel $0x180000  }
0xe9: {  	[bflag:$0x0] =	sbarrier.arrive $0xFFFF  }
0xea: {  	p0 =	sne.s32 s3, $0x0;
	_ =	strace $0x90000047  }
0xeb: {  	s0 =	sadd.s32 @!p0 $0x100000, s0;
	[bflag:$0x2] =	sbarrier.arrive $0xFFFF  }
0xec: {  	[sflag:s0] =	ssyncadd.tile.s32 @!p0 $0x1;
	_ =	shalt  }
.Lfunc_end2:
_tile_overlayer_lowered:
.L_overlay_start_2:
0xed: {  	(tag) =	ssettag $0x2  }
0xee: {  	s0 =	rddreg [dreg:$0x0];
	s2 =	stileid.u32  }
0xef: {  	s1 =	rddreg [dreg:$0x1];
	p0 =	sne.s32 s2, $0x0  }
0xf0: {  	s3 =	rddreg [dreg:$0x2];
	[bflag:$0x3] =	sbarrier.arrive $0xFFFF;
	s2 =	simm.s32 @!p0 $0x1C01  }
0xf1: {  	[timem:s3], [sflag:s2] =	dma.local @!p0 [hbm:s0], s1  }
0xf2: {  	s0 =	simm.s32 @!p0 $0x1  }
0xf3: {  	_ =	swait.ge @!p0 [sflag:s0], s1  }
0xf4: {  	s1 =	ssub.s32 @!p0 $0x0, s1;
	[sflag:s0] =	ssyncset.done @!p0 $0x0  }
0xf5: {  	[sflag:s0] =	ssyncadd.s32 @!p0 s1  }
0xf6: {  	[bflag:$0x3] =	sbarrier.arrive $0xFFFF  }
0xf7: {  	_ =	shalt  }

</sc_bundles>
